<compile_context>
chip_gen: v7x
topology: tpu7x:2x2x1
jax: 0.10.2.dev20260603
libtpu: 0.0.44.dev20260713+nightly
codegen_flags: <defaults>
</compile_context>

<pallas_src>
import functools

import jax
import jax.numpy as jnp
from jax import lax
from jax.experimental import pallas as pl
from jax.experimental.pallas import tpu as pltpu
from jax.experimental.pallas import tpu_sc as plsc

N = 32768
D = 512
NUM_CLASSES = 3

NC, NS = 2, 16
NW = NC * NS
N_SC = 2048
N_TC = N - N_SC
BN = 3840
CH = 64
ROWS_PER_W = N_SC // NW
NCH = ROWS_PER_W // CH


def _sc_partial_kernel(x_hbm, p_hbm, o_hbm, xb0, xb1, pbuf, acc,
                       xs0, xs1):
    cid = lax.axis_index("c")
    sid = lax.axis_index("s")
    wid = sid * NC + cid
    wstart = N_TC + wid * ROWS_PER_W

    @pl.loop(0, NUM_CLASSES)
    def _(r):
        @pl.loop(0, D, step=16)
        def _(c1):
            acc.at[pl.ds(r, 1), pl.ds(c1, 16)][...] = jnp.zeros(
                (1, 16), jnp.float32)

    pltpu.sync_copy(p_hbm.at[pl.ds(wstart, ROWS_PER_W)], pbuf)

    xbufs = (xb0, xb1)
    xsems = (xs0, xs1)
    handles = [None] * NCH

    def issue(j):
        b = j % 2
        handles[j] = pltpu.async_copy(
            x_hbm.at[pl.ds(wstart + j * CH, CH)], xbufs[b], xsems[b])

    issue(0)
    for j in range(NCH):
        b = j % 2
        handles[j].wait()
        if j + 1 < NCH:
            issue(j + 1)
        buf = xbufs[b]

        @pl.loop(0, CH, step=16)
        def _(g):
            pv = pbuf[pl.ds(j * CH + g, 16)]
            for r16 in range(16):
                pr = pv[r16]
                row = buf.at[pl.ds(g + r16, 1), :][...]
                plsc.addupdate(acc.at[pl.ds(pr, 1), :], row)

    pltpu.sync_copy(acc, o_hbm.at[wid])


def _sc_partial(x, p):
    mesh = plsc.VectorSubcoreMesh(core_axis_name="c", subcore_axis_name="s")
    return pl.kernel(
        _sc_partial_kernel,
        out_type=jax.ShapeDtypeStruct((NW, NUM_CLASSES, D), jnp.float32),
        mesh=mesh,
        scratch_types=[
            pltpu.VMEM((CH, D), jnp.float32),
            pltpu.VMEM((CH, D), jnp.float32),
            pltpu.VMEM((ROWS_PER_W,), jnp.int32),
            pltpu.VMEM((NUM_CLASSES, D), jnp.float32),
            pltpu.SemaphoreType.DMA,
            pltpu.SemaphoreType.DMA,
        ],
    )(x, p)


def _tc_sums_kernel(p_ref, x_ref, o_ref, acc_ref):
    i = pl.program_id(0)
    nsteps = pl.num_programs(0)

    @pl.when(i == 0)
    def _():
        acc_ref[...] = jnp.zeros_like(acc_ref)

    p = p_ref[0, :]
    x = x_ref[...]
    pb = jnp.broadcast_to(p[None, :], (8, BN))
    rows = lax.broadcasted_iota(jnp.int32, (8, BN), 0)
    onehot = (pb == rows).astype(jnp.float32)
    acc_ref[...] += lax.dot_general(
        onehot, x, (((1,), (0,)), ((), ())),
        preferred_element_type=jnp.float32,
        precision=lax.Precision.DEFAULT,
    )

    @pl.when(i == nsteps - 1)
    def _():
        o_ref[...] = acc_ref[0:NUM_CLASSES, :]


def _tc_sums(x, p2d):
    nsteps = N_TC // BN
    return pl.pallas_call(
        _tc_sums_kernel,
        grid=(nsteps,),
        in_specs=[
            pl.BlockSpec((1, BN), lambda i: (0, i)),
            pl.BlockSpec((BN, D), lambda i: (i, 0)),
        ],
        out_specs=pl.BlockSpec((NUM_CLASSES, D), lambda i: (0, 0)),
        out_shape=jax.ShapeDtypeStruct((NUM_CLASSES, D), jnp.float32),
        scratch_shapes=[pltpu.VMEM((8, D), jnp.float32)],
    )(p2d, x)


def _combine_kernel(p_ref, tc_ref, sc_ref, o_ref):
    p = p_ref[0, :]
    pb = jnp.broadcast_to(p[None, :], (8, N))
    rows = lax.broadcasted_iota(jnp.int32, (8, N), 0)
    counts = jnp.sum((pb == rows).astype(jnp.float32), axis=1,
                     keepdims=True)
    total = sc_ref[0]
    for w in range(1, NW):
        total = total + sc_ref[w]
    total = tc_ref[...] + total
    o_ref[...] = total / jnp.maximum(counts[0:NUM_CLASSES, :], 1.0)


def _combine(p2d, tc_sums, sc_partials):
    return pl.pallas_call(
        _combine_kernel,
        out_shape=jax.ShapeDtypeStruct((NUM_CLASSES, D), jnp.float32),
    )(p2d, tc_sums, sc_partials)


@jax.jit
def kernel(inputs, porality):
    p = porality.astype(jnp.int32)
    p2d = p.reshape(1, N)
    sc_partials = _sc_partial(inputs, p)
    tc_sums = _tc_sums(inputs, p2d)
    return _combine(p2d, tc_sums, sc_partials)

# --- scband reference (transcript-rebuilt; emitter-appended) ---
"""Pipeline reference for scband-batch-pool-loss-7086696038737 (READ-ONLY COPY).

The authoritative reference and input builder live on the scoring server;
editing this copy changes nothing except your own understanding.
"""

import jax, jax.numpy as jnp
import numpy as np

N = 32768
D = 512
NUM_CLASSES = 3

def setup_inputs(seed: int = 0) -> dict:
    key = jax.random.key(seed)
    k1, k2 = jax.random.split(key)
    inputs = jax.random.normal(k1, (N, D), dtype=jnp.float32)
    porality = jax.random.randint(k2, (N,), 0, NUM_CLASSES)
    return {"inputs": inputs, "porality": porality}

def reference(inputs, porality):
    # scatter-add of each row into its polarity bin (0,1,2)
    sta_score_init = jax.ops.segment_sum(inputs, porality, num_segments=NUM_CLASSES)
    # counts per class; classes absent from the batch keep divisor 1 (torch init was ones)
    counts = jnp.bincount(porality, length=NUM_CLASSES)
    num_0_1_2_init = jnp.where(counts > 0, counts, 1).astype(inputs.dtype)
    sta_score = sta_score_init / num_0_1_2_init[:, None]
    return sta_score

if __name__ == "__main__":
    import jax
    _d = setup_inputs()
    print(jax.jit(kernel)(*tuple(_d.values())))

</pallas_src>

<mosaic_0001>
#map = affine_map<(d0, d1) -> (0, 0)>
#map1 = affine_map<(d0, d1) -> (0)>
#map2 = affine_map<(d0, d1) -> (0, 0, 0)>
module attributes {stable_mosaic.version = 14 : i64} {
  func.func @_sc_partial_kernel(%arg0: i32, %arg1: i32, %arg2: memref<32768x512xf32, #tpu.memory_space<hbm>>, %arg3: memref<32768xi32, #tpu.memory_space<hbm>>, %arg4: memref<32x3x512xf32, #tpu.memory_space<hbm>>, %arg5: memref<64x512xf32, #tpu.memory_space<vmem>>, %arg6: memref<64x512xf32, #tpu.memory_space<vmem>>, %arg7: memref<64xi32, #tpu.memory_space<vmem>>, %arg8: memref<3x512xf32, #tpu.memory_space<vmem>>, %arg9: memref<!tpu.dma_semaphore, #tpu.memory_space<semaphore_mem>>, %arg10: memref<!tpu.dma_semaphore, #tpu.memory_space<semaphore_mem>>) attributes {dimension_semantics = [#tpu.dimension_semantics<core_parallel>, #tpu.dimension_semantics<subcore_parallel>], iteration_bounds = array<i64: 2, 16>, scalar_prefetch = 0 : i64, scratch_operands = 6 : i64, tpu.core_type = #tpu.core_type<sc_vector_subcore>, window_params = [{transform_indices = #map}, {transform_indices = #map1}, {transform_indices = #map2}]} {
    %mul3A = arith.constant 2 : i32
    %mul3A_0 = arith.muli %arg1, %mul3A : i32
    %add3A = arith.addi %mul3A_0, %arg0 : i32
    %mul3A_1 = arith.constant 64 : i32
    %mul3A_2 = arith.muli %add3A, %mul3A_1 : i32
    %add3A_3 = arith.constant 30720 : i32
    %add3A_4 = arith.addi %add3A_3, %mul3A_2 : i32
    %scan3A = arith.constant 0 : i32
    %scan3A_5 = arith.constant 3 : i32
    %scan3A_6 = arith.addi %scan3A, %scan3A_5 : i32
    %scan3A_7 = arith.constant 1 : i32
    scf.for %scan3A_22 = %scan3A to %scan3A_6 step %scan3A_7  : i32 {
      %mul3A_23 = arith.constant 1 : i32
      %mul3A_24 = arith.muli %scan3A_22, %mul3A_23 : i32
      %add3A_25 = arith.constant 0 : i32
      %add3A_26 = arith.addi %add3A_25, %mul3A_24 : i32
      %scan3A_27 = arith.constant 0 : i32
      %scan3A_28 = arith.constant 32 : i32
      %scan3A_29 = arith.addi %scan3A_27, %scan3A_28 : i32
      %scan3A_30 = arith.constant 1 : i32
      scf.for %scan3A_32 = %scan3A_27 to %scan3A_29 step %scan3A_30  : i32 {
        %mul3A_33 = arith.constant 16 : i32
        %mul3A_34 = arith.muli %scan3A_32, %mul3A_33 : i32
        %add3A_35 = arith.constant 0 : i32
        %add3A_36 = arith.addi %add3A_35, %mul3A_34 : i32
        %broadcast_in_dim3A = arith.constant 0.000000e+00 : f32
        %broadcast_in_dim3A_37 = vector.broadcast %broadcast_in_dim3A : f32 to vector<1x16xf32>
        %swap3A = arith.index_cast %add3A_26 : i32 to index
        %swap3A_38 = arith.index_cast %add3A_36 : i32 to index
        %swap3A_39 = tpu.vector_load %arg8[%swap3A, %swap3A_38] {strides = array<i32>} : memref<3x512xf32, #tpu.memory_space<vmem>>, vector<1x16xf32>,
        %swap3A_40 = vector.shape_cast %swap3A_39 : vector<1x16xf32> to vector<1x16xf32>
        %swap3A_41 = vector.shape_cast %broadcast_in_dim3A_37 : vector<1x16xf32> to vector<1x16xf32>
        tpu.vector_store %arg8[%swap3A, %swap3A_38], %swap3A_41 {strides = array<i32>} : memref<3x512xf32, #tpu.memory_space<vmem>>, vector<1x16xf32>,
      }
      %scan3A_31 = arith.constant 32 : i32
    }
    %scan3A_8 = arith.constant 3 : i32
    "tpu.region"() ({
      %run_scoped3A = tpu.sem_alloc : memref<!tpu.dma_semaphore, #tpu.memory_space<semaphore_mem>>
      %dma_start3A_22 = tpu.memref_slice %arg3[%add3A_4] : memref<32768xi32, #tpu.memory_space<hbm>> -> memref<64xi32, #tpu.memory_space<hbm>>
      %dma_start3A_23 = tpu.memref_slice %arg3[%add3A_4] : memref<32768xi32, #tpu.memory_space<hbm>> -> memref<64xi32, #tpu.memory_space<hbm>>
      tpu.enqueue_dma source(%dma_start3A_23 : memref<64xi32, #tpu.memory_space<hbm>>) target(%arg7 : memref<64xi32, #tpu.memory_space<vmem>>) target_semaphore(%run_scoped3A : memref<!tpu.dma_semaphore, #tpu.memory_space<semaphore_mem>>)
      %dma_wait3A_24 = tpu.memref_slice %arg3[%add3A_4] : memref<32768xi32, #tpu.memory_space<hbm>> -> memref<64xi32, #tpu.memory_space<hbm>>
      %dma_wait3A_25 = tpu.memref_slice %arg3[%add3A_4] : memref<32768xi32, #tpu.memory_space<hbm>> -> memref<64xi32, #tpu.memory_space<hbm>>
      tpu.wait_dma2 semaphore(%run_scoped3A : memref<!tpu.dma_semaphore, #tpu.memory_space<semaphore_mem>>) src(%dma_wait3A_25 : memref<64xi32, #tpu.memory_space<hbm>>) dst(%arg7 : memref<64xi32, #tpu.memory_space<vmem>>)
      tpu.yield
    }) : () -> ()
    %add3A_9 = arith.constant 0 : i32
    %add3A_10 = arith.addi %add3A_4, %add3A_9 : i32
    %dma_start3A = arith.constant 0 : i32
    %dma_start3A_11 = tpu.memref_slice %arg2[%add3A_10, %dma_start3A] : memref<32768x512xf32, #tpu.memory_space<hbm>> -> memref<64x512xf32, #tpu.memory_space<hbm>>
    %dma_start3A_12 = arith.constant 0 : i32
    %dma_start3A_13 = tpu.memref_slice %arg2[%add3A_10, %dma_start3A_12] : memref<32768x512xf32, #tpu.memory_space<hbm>> -> memref<64x512xf32, #tpu.memory_space<hbm>>
    tpu.enqueue_dma source(%dma_start3A_13 : memref<64x512xf32, #tpu.memory_space<hbm>>) target(%arg5 : memref<64x512xf32, #tpu.memory_space<vmem>>) target_semaphore(%arg9 : memref<!tpu.dma_semaphore, #tpu.memory_space<semaphore_mem>>)
    %dma_wait3A = arith.constant 0 : i32
    %dma_wait3A_14 = tpu.memref_slice %arg2[%add3A_10, %dma_wait3A] : memref<32768x512xf32, #tpu.memory_space<hbm>> -> memref<64x512xf32, #tpu.memory_space<hbm>>
    %dma_wait3A_15 = arith.constant 0 : i32
    %dma_wait3A_16 = tpu.memref_slice %arg2[%add3A_10, %dma_wait3A_15] : memref<32768x512xf32, #tpu.memory_space<hbm>> -> memref<64x512xf32, #tpu.memory_space<hbm>>
    tpu.wait_dma2 semaphore(%arg9 : memref<!tpu.dma_semaphore, #tpu.memory_space<semaphore_mem>>) src(%dma_wait3A_16 : memref<64x512xf32, #tpu.memory_space<hbm>>) dst(%arg5 : memref<64x512xf32, #tpu.memory_space<vmem>>)
    %scan3A_17 = arith.constant 0 : i32
    %scan3A_18 = arith.constant 4 : i32
    %scan3A_19 = arith.addi %scan3A_17, %scan3A_18 : i32
    %scan3A_20 = arith.constant 1 : i32
    scf.for %scan3A_22 = %scan3A_17 to %scan3A_19 step %scan3A_20  : i32 {
      %mul3A_23 = arith.constant 16 : i32
      %mul3A_24 = arith.muli %scan3A_22, %mul3A_23 : i32
      %add3A_25 = arith.constant 0 : i32
      %add3A_26 = arith.addi %add3A_25, %mul3A_24 : i32
      %add3A_27 = arith.constant 0 : i32
      %add3A_28 = arith.addi %add3A_27, %add3A_26 : i32
      %get3A = arith.index_cast %add3A_28 : i32 to index
      %get3A_29 = tpu.vector_load %arg7[%get3A] {strides = array<i32>} : memref<64xi32, #tpu.memory_space<vmem>>, vector<16xi32>,
      %get3A_30 = vector.shape_cast %get3A_29 : vector<16xi32> to vector<16xi32>
      %slice3A = vector.extract_strided_slice %get3A_30 {offsets = [0], sizes = [1], strides = [1]} : vector<16xi32> to vector<1xi32>
      %squeeze3A = vector.extract %slice3A[0] : i32 from vector<1xi32>
      %add3A_31 = arith.constant 0 : i32
      %add3A_32 = arith.addi %add3A_26, %add3A_31 : i32
      %get3A_33 = arith.index_cast %add3A_32 : i32 to index
      %get3A_34 = arith.constant 0 : index
      %get3A_35 = tpu.vector_load %arg5[%get3A_33, %get3A_34] {strides = array<i32>} : memref<64x512xf32, #tpu.memory_space<vmem>>, vector<1x512xf32>,
      %get3A_36 = vector.shape_cast %get3A_35 : vector<1x512xf32> to vector<1x512xf32>
      %swap3A = arith.index_cast %squeeze3A : i32 to index
      %swap3A_37 = arith.constant 0 : index
      %swap3A_38 = tpu.vector_load %arg8[%swap3A, %swap3A_37] {strides = array<i32>} : memref<3x512xf32, #tpu.memory_space<vmem>>, vector<1x512xf32>,
      %swap3A_39 = vector.shape_cast %swap3A_38 : vector<1x512xf32> to vector<1x512xf32>
      %swap3A_40 = vector.shape_cast %get3A_36 : vector<1x512xf32> to vector<1x512xf32>
      tpu.vector_store %arg8[%swap3A, %swap3A_37], %swap3A_40 {add = true, strides = array<i32>} : memref<3x512xf32, #tpu.memory_space<vmem>>, vector<1x512xf32>,
      %slice3A_41 = vector.extract_strided_slice %get3A_30 {offsets = [1], sizes = [1], strides = [1]} : vector<16xi32> to vector<1xi32>
      %squeeze3A_42 = vector.extract %slice3A_41[0] : i32 from vector<1xi32>
      %add3A_43 = arith.constant 1 : i32
      %add3A_44 = arith.addi %add3A_26, %add3A_43 : i32
      %get3A_45 = arith.index_cast %add3A_44 : i32 to index
      %get3A_46 = arith.constant 0 : index
      %get3A_47 = tpu.vector_load %arg5[%get3A_45, %get3A_46] {strides = array<i32>} : memref<64x512xf32, #tpu.memory_space<vmem>>, vector<1x512xf32>,
      %get3A_48 = vector.shape_cast %get3A_47 : vector<1x512xf32> to vector<1x512xf32>
      %swap3A_49 = arith.index_cast %squeeze3A_42 : i32 to index
      %swap3A_50 = arith.constant 0 : index
      %swap3A_51 = tpu.vector_load %arg8[%swap3A_49, %swap3A_50] {strides = array<i32>} : memref<3x512xf32, #tpu.memory_space<vmem>>, vector<1x512xf32>,
      %swap3A_52 = vector.shape_cast %swap3A_51 : vector<1x512xf32> to vector<1x512xf32>
      %swap3A_53 = vector.shape_cast %get3A_48 : vector<1x512xf32> to vector<1x512xf32>
      tpu.vector_store %arg8[%swap3A_49, %swap3A_50], %swap3A_53 {add = true, strides = array<i32>} : memref<3x512xf32, #tpu.memory_space<vmem>>, vector<1x512xf32>,
      %slice3A_54 = vector.extract_strided_slice %get3A_30 {offsets = [2], sizes = [1], strides = [1]} : vector<16xi32> to vector<1xi32>
      %squeeze3A_55 = vector.extract %slice3A_54[0] : i32 from vector<1xi32>
      %add3A_56 = arith.constant 2 : i32
      %add3A_57 = arith.addi %add3A_26, %add3A_56 : i32
      %get3A_58 = arith.index_cast %add3A_57 : i32 to index
      %get3A_59 = arith.constant 0 : index
      %get3A_60 = tpu.vector_load %arg5[%get3A_58, %get3A_59] {strides = array<i32>} : memref<64x512xf32, #tpu.memory_space<vmem>>, vector<1x512xf32>,
      %get3A_61 = vector.shape_cast %get3A_60 : vector<1x512xf32> to vector<1x512xf32>
      %swap3A_62 = arith.index_cast %squeeze3A_55 : i32 to index
      %swap3A_63 = arith.constant 0 : index
      %swap3A_64 = tpu.vector_load %arg8[%swap3A_62, %swap3A_63] {strides = array<i32>} : memref<3x512xf32, #tpu.memory_space<vmem>>, vector<1x512xf32>,
      %swap3A_65 = vector.shape_cast %swap3A_64 : vector<1x512xf32> to vector<1x512xf32>
      %swap3A_66 = vector.shape_cast %get3A_61 : vector<1x512xf32> to vector<1x512xf32>
      tpu.vector_store %arg8[%swap3A_62, %swap3A_63], %swap3A_66 {add = true, strides = array<i32>} : memref<3x512xf32, #tpu.memory_space<vmem>>, vector<1x512xf32>,
      %slice3A_67 = vector.extract_strided_slice %get3A_30 {offsets = [3], sizes = [1], strides = [1]} : vector<16xi32> to vector<1xi32>
      %squeeze3A_68 = vector.extract %slice3A_67[0] : i32 from vector<1xi32>
      %add3A_69 = arith.constant 3 : i32
      %add3A_70 = arith.addi %add3A_26, %add3A_69 : i32
      %get3A_71 = arith.index_cast %add3A_70 : i32 to index
      %get3A_72 = arith.constant 0 : index
      %get3A_73 = tpu.vector_load %arg5[%get3A_71, %get3A_72] {strides = array<i32>} : memref<64x512xf32, #tpu.memory_space<vmem>>, vector<1x512xf32>,
      %get3A_74 = vector.shape_cast %get3A_73 : vector<1x512xf32> to vector<1x512xf32>
      %swap3A_75 = arith.index_cast %squeeze3A_68 : i32 to index
      %swap3A_76 = arith.constant 0 : index
      %swap3A_77 = tpu.vector_load %arg8[%swap3A_75, %swap3A_76] {strides = array<i32>} : memref<3x512xf32, #tpu.memory_space<vmem>>, vector<1x512xf32>,
      %swap3A_78 = vector.shape_cast %swap3A_77 : vector<1x512xf32> to vector<1x512xf32>
      %swap3A_79 = vector.shape_cast %get3A_74 : vector<1x512xf32> to vector<1x512xf32>
      tpu.vector_store %arg8[%swap3A_75, %swap3A_76], %swap3A_79 {add = true, strides = array<i32>} : memref<3x512xf32, #tpu.memory_space<vmem>>, vector<1x512xf32>,
      %slice3A_80 = vector.extract_strided_slice %get3A_30 {offsets = [4], sizes = [1], strides = [1]} : vector<16xi32> to vector<1xi32>
      %squeeze3A_81 = vector.extract %slice3A_80[0] : i32 from vector<1xi32>
      %add3A_82 = arith.constant 4 : i32
      %add3A_83 = arith.addi %add3A_26, %add3A_82 : i32
      %get3A_84 = arith.index_cast %add3A_83 : i32 to index
      %get3A_85 = arith.constant 0 : index
      %get3A_86 = tpu.vector_load %arg5[%get3A_84, %get3A_85] {strides = array<i32>} : memref<64x512xf32, #tpu.memory_space<vmem>>, vector<1x512xf32>,
      %get3A_87 = vector.shape_cast %get3A_86 : vector<1x512xf32> to vector<1x512xf32>
      %swap3A_88 = arith.index_cast %squeeze3A_81 : i32 to index
      %swap3A_89 = arith.constant 0 : index
      %swap3A_90 = tpu.vector_load %arg8[%swap3A_88, %swap3A_89] {strides = array<i32>} : memref<3x512xf32, #tpu.memory_space<vmem>>, vector<1x512xf32>,
      %swap3A_91 = vector.shape_cast %swap3A_90 : vector<1x512xf32> to vector<1x512xf32>
      %swap3A_92 = vector.shape_cast %get3A_87 : vector<1x512xf32> to vector<1x512xf32>
      tpu.vector_store %arg8[%swap3A_88, %swap3A_89], %swap3A_92 {add = true, strides = array<i32>} : memref<3x512xf32, #tpu.memory_space<vmem>>, vector<1x512xf32>,
      %slice3A_93 = vector.extract_strided_slice %get3A_30 {offsets = [5], sizes = [1], strides = [1]} : vector<16xi32> to vector<1xi32>
      %squeeze3A_94 = vector.extract %slice3A_93[0] : i32 from vector<1xi32>
      %add3A_95 = arith.constant 5 : i32
      %add3A_96 = arith.addi %add3A_26, %add3A_95 : i32
      %get3A_97 = arith.index_cast %add3A_96 : i32 to index
      %get3A_98 = arith.constant 0 : index
      %get3A_99 = tpu.vector_load %arg5[%get3A_97, %get3A_98] {strides = array<i32>} : memref<64x512xf32, #tpu.memory_space<vmem>>, vector<1x512xf32>,
      %get3A_100 = vector.shape_cast %get3A_99 : vector<1x512xf32> to vector<1x512xf32>
      %swap3A_101 = arith.index_cast %squeeze3A_94 : i32 to index
      %swap3A_102 = arith.constant 0 : index
      %swap3A_103 = tpu.vector_load %arg8[%swap3A_101, %swap3A_102] {strides = array<i32>} : memref<3x512xf32, #tpu.memory_space<vmem>>, vector<1x512xf32>,
      %swap3A_104 = vector.shape_cast %swap3A_103 : vector<1x512xf32> to vector<1x512xf32>
      %swap3A_105 = vector.shape_cast %get3A_100 : vector<1x512xf32> to vector<1x512xf32>
      tpu.vector_store %arg8[%swap3A_101, %swap3A_102], %swap3A_105 {add = true, strides = array<i32>} : memref<3x512xf32, #tpu.memory_space<vmem>>, vector<1x512xf32>,
      %slice3A_106 = vector.extract_strided_slice %get3A_30 {offsets = [6], sizes = [1], strides = [1]} : vector<16xi32> to vector<1xi32>
      %squeeze3A_107 = vector.extract %slice3A_106[0] : i32 from vector<1xi32>
      %add3A_108 = arith.constant 6 : i32
      %add3A_109 = arith.addi %add3A_26, %add3A_108 : i32
      %get3A_110 = arith.index_cast %add3A_109 : i32 to index
      %get3A_111 = arith.constant 0 : index
      %get3A_112 = tpu.vector_load %arg5[%get3A_110, %get3A_111] {strides = array<i32>} : memref<64x512xf32, #tpu.memory_space<vmem>>, vector<1x512xf32>,
      %get3A_113 = vector.shape_cast %get3A_112 : vector<1x512xf32> to vector<1x512xf32>
      %swap3A_114 = arith.index_cast %squeeze3A_107 : i32 to index
      %swap3A_115 = arith.constant 0 : index
      %swap3A_116 = tpu.vector_load %arg8[%swap3A_114, %swap3A_115] {strides = array<i32>} : memref<3x512xf32, #tpu.memory_space<vmem>>, vector<1x512xf32>,
      %swap3A_117 = vector.shape_cast %swap3A_116 : vector<1x512xf32> to vector<1x512xf32>
      %swap3A_118 = vector.shape_cast %get3A_113 : vector<1x512xf32> to vector<1x512xf32>
      tpu.vector_store %arg8[%swap3A_114, %swap3A_115], %swap3A_118 {add = true, strides = array<i32>} : memref<3x512xf32, #tpu.memory_space<vmem>>, vector<1x512xf32>,
      %slice3A_119 = vector.extract_strided_slice %get3A_30 {offsets = [7], sizes = [1], strides = [1]} : vector<16xi32> to vector<1xi32>
      %squeeze3A_120 = vector.extract %slice3A_119[0] : i32 from vector<1xi32>
      %add3A_121 = arith.constant 7 : i32
      %add3A_122 = arith.addi %add3A_26, %add3A_121 : i32
      %get3A_123 = arith.index_cast %add3A_122 : i32 to index
      %get3A_124 = arith.constant 0 : index
      %get3A_125 = tpu.vector_load %arg5[%get3A_123, %get3A_124] {strides = array<i32>} : memref<64x512xf32, #tpu.memory_space<vmem>>, vector<1x512xf32>,
      %get3A_126 = vector.shape_cast %get3A_125 : vector<1x512xf32> to vector<1x512xf32>
      %swap3A_127 = arith.index_cast %squeeze3A_120 : i32 to index
      %swap3A_128 = arith.constant 0 : index
      %swap3A_129 = tpu.vector_load %arg8[%swap3A_127, %swap3A_128] {strides = array<i32>} : memref<3x512xf32, #tpu.memory_space<vmem>>, vector<1x512xf32>,
      %swap3A_130 = vector.shape_cast %swap3A_129 : vector<1x512xf32> to vector<1x512xf32>
      %swap3A_131 = vector.shape_cast %get3A_126 : vector<1x512xf32> to vector<1x512xf32>
      tpu.vector_store %arg8[%swap3A_127, %swap3A_128], %swap3A_131 {add = true, strides = array<i32>} : memref<3x512xf32, #tpu.memory_space<vmem>>, vector<1x512xf32>,
      %slice3A_132 = vector.extract_strided_slice %get3A_30 {offsets = [8], sizes = [1], strides = [1]} : vector<16xi32> to vector<1xi32>
      %squeeze3A_133 = vector.extract %slice3A_132[0] : i32 from vector<1xi32>
      %add3A_134 = arith.constant 8 : i32
      %add3A_135 = arith.addi %add3A_26, %add3A_134 : i32
      %get3A_136 = arith.index_cast %add3A_135 : i32 to index
      %get3A_137 = arith.constant 0 : index
      %get3A_138 = tpu.vector_load %arg5[%get3A_136, %get3A_137] {strides = array<i32>} : memref<64x512xf32, #tpu.memory_space<vmem>>, vector<1x512xf32>,
      %get3A_139 = vector.shape_cast %get3A_138 : vector<1x512xf32> to vector<1x512xf32>
      %swap3A_140 = arith.index_cast %squeeze3A_133 : i32 to index
      %swap3A_141 = arith.constant 0 : index
      %swap3A_142 = tpu.vector_load %arg8[%swap3A_140, %swap3A_141] {strides = array<i32>} : memref<3x512xf32, #tpu.memory_space<vmem>>, vector<1x512xf32>,
      %swap3A_143 = vector.shape_cast %swap3A_142 : vector<1x512xf32> to vector<1x512xf32>
      %swap3A_144 = vector.shape_cast %get3A_139 : vector<1x512xf32> to vector<1x512xf32>
      tpu.vector_store %arg8[%swap3A_140, %swap3A_141], %swap3A_144 {add = true, strides = array<i32>} : memref<3x512xf32, #tpu.memory_space<vmem>>, vector<1x512xf32>,
      %slice3A_145 = vector.extract_strided_slice %get3A_30 {offsets = [9], sizes = [1], strides = [1]} : vector<16xi32> to vector<1xi32>
      %squeeze3A_146 = vector.extract %slice3A_145[0] : i32 from vector<1xi32>
      %add3A_147 = arith.constant 9 : i32
      %add3A_148 = arith.addi %add3A_26, %add3A_147 : i32
      %get3A_149 = arith.index_cast %add3A_148 : i32 to index
      %get3A_150 = arith.constant 0 : index
      %get3A_151 = tpu.vector_load %arg5[%get3A_149, %get3A_150] {strides = array<i32>} : memref<64x512xf32, #tpu.memory_space<vmem>>, vector<1x512xf32>,
      %get3A_152 = vector.shape_cast %get3A_151 : vector<1x512xf32> to vector<1x512xf32>
      %swap3A_153 = arith.index_cast %squeeze3A_146 : i32 to index
      %swap3A_154 = arith.constant 0 : index
      %swap3A_155 = tpu.vector_load %arg8[%swap3A_153, %swap3A_154] {strides = array<i32>} : memref<3x512xf32, #tpu.memory_space<vmem>>, vector<1x512xf32>,
      %swap3A_156 = vector.shape_cast %swap3A_155 : vector<1x512xf32> to vector<1x512xf32>
      %swap3A_157 = vector.shape_cast %get3A_152 : vector<1x512xf32> to vector<1x512xf32>
      tpu.vector_store %arg8[%swap3A_153, %swap3A_154], %swap3A_157 {add = true, strides = array<i32>} : memref<3x512xf32, #tpu.memory_space<vmem>>, vector<1x512xf32>,
      %slice3A_158 = vector.extract_strided_slice %get3A_30 {offsets = [10], sizes = [1], strides = [1]} : vector<16xi32> to vector<1xi32>
      %squeeze3A_159 = vector.extract %slice3A_158[0] : i32 from vector<1xi32>
      %add3A_160 = arith.constant 10 : i32
      %add3A_161 = arith.addi %add3A_26, %add3A_160 : i32
      %get3A_162 = arith.index_cast %add3A_161 : i32 to index
      %get3A_163 = arith.constant 0 : index
      %get3A_164 = tpu.vector_load %arg5[%get3A_162, %get3A_163] {strides = array<i32>} : memref<64x512xf32, #tpu.memory_space<vmem>>, vector<1x512xf32>,
      %get3A_165 = vector.shape_cast %get3A_164 : vector<1x512xf32> to vector<1x512xf32>
      %swap3A_166 = arith.index_cast %squeeze3A_159 : i32 to index
      %swap3A_167 = arith.constant 0 : index
      %swap3A_168 = tpu.vector_load %arg8[%swap3A_166, %swap3A_167] {strides = array<i32>} : memref<3x512xf32, #tpu.memory_space<vmem>>, vector<1x512xf32>,
      %swap3A_169 = vector.shape_cast %swap3A_168 : vector<1x512xf32> to vector<1x512xf32>
      %swap3A_170 = vector.shape_cast %get3A_165 : vector<1x512xf32> to vector<1x512xf32>
      tpu.vector_store %arg8[%swap3A_166, %swap3A_167], %swap3A_170 {add = true, strides = array<i32>} : memref<3x512xf32, #tpu.memory_space<vmem>>, vector<1x512xf32>,
      %slice3A_171 = vector.extract_strided_slice %get3A_30 {offsets = [11], sizes = [1], strides = [1]} : vector<16xi32> to vector<1xi32>
      %squeeze3A_172 = vector.extract %slice3A_171[0] : i32 from vector<1xi32>
      %add3A_173 = arith.constant 11 : i32
      %add3A_174 = arith.addi %add3A_26, %add3A_173 : i32
      %get3A_175 = arith.index_cast %add3A_174 : i32 to index
      %get3A_176 = arith.constant 0 : index
      %get3A_177 = tpu.vector_load %arg5[%get3A_175, %get3A_176] {strides = array<i32>} : memref<64x512xf32, #tpu.memory_space<vmem>>, vector<1x512xf32>,
      %get3A_178 = vector.shape_cast %get3A_177 : vector<1x512xf32> to vector<1x512xf32>
      %swap3A_179 = arith.index_cast %squeeze3A_172 : i32 to index
      %swap3A_180 = arith.constant 0 : index
      %swap3A_181 = tpu.vector_load %arg8[%swap3A_179, %swap3A_180] {strides = array<i32>} : memref<3x512xf32, #tpu.memory_space<vmem>>, vector<1x512xf32>,
      %swap3A_182 = vector.shape_cast %swap3A_181 : vector<1x512xf32> to vector<1x512xf32>
      %swap3A_183 = vector.shape_cast %get3A_178 : vector<1x512xf32> to vector<1x512xf32>
      tpu.vector_store %arg8[%swap3A_179, %swap3A_180], %swap3A_183 {add = true, strides = array<i32>} : memref<3x512xf32, #tpu.memory_space<vmem>>, vector<1x512xf32>,
      %slice3A_184 = vector.extract_strided_slice %get3A_30 {offsets = [12], sizes = [1], strides = [1]} : vector<16xi32> to vector<1xi32>
      %squeeze3A_185 = vector.extract %slice3A_184[0] : i32 from vector<1xi32>
      %add3A_186 = arith.constant 12 : i32
      %add3A_187 = arith.addi %add3A_26, %add3A_186 : i32
      %get3A_188 = arith.index_cast %add3A_187 : i32 to index
      %get3A_189 = arith.constant 0 : index
      %get3A_190 = tpu.vector_load %arg5[%get3A_188, %get3A_189] {strides = array<i32>} : memref<64x512xf32, #tpu.memory_space<vmem>>, vector<1x512xf32>,
      %get3A_191 = vector.shape_cast %get3A_190 : vector<1x512xf32> to vector<1x512xf32>
      %swap3A_192 = arith.index_cast %squeeze3A_185 : i32 to index
      %swap3A_193 = arith.constant 0 : index
      %swap3A_194 = tpu.vector_load %arg8[%swap3A_192, %swap3A_193] {strides = array<i32>} : memref<3x512xf32, #tpu.memory_space<vmem>>, vector<1x512xf32>,
      %swap3A_195 = vector.shape_cast %swap3A_194 : vector<1x512xf32> to vector<1x512xf32>
      %swap3A_196 = vector.shape_cast %get3A_191 : vector<1x512xf32> to vector<1x512xf32>
      tpu.vector_store %arg8[%swap3A_192, %swap3A_193], %swap3A_196 {add = true, strides = array<i32>} : memref<3x512xf32, #tpu.memory_space<vmem>>, vector<1x512xf32>,
      %slice3A_197 = vector.extract_strided_slice %get3A_30 {offsets = [13], sizes = [1], strides = [1]} : vector<16xi32> to vector<1xi32>
      %squeeze3A_198 = vector.extract %slice3A_197[0] : i32 from vector<1xi32>
      %add3A_199 = arith.constant 13 : i32
      %add3A_200 = arith.addi %add3A_26, %add3A_199 : i32
      %get3A_201 = arith.index_cast %add3A_200 : i32 to index
      %get3A_202 = arith.constant 0 : index
      %get3A_203 = tpu.vector_load %arg5[%get3A_201, %get3A_202] {strides = array<i32>} : memref<64x512xf32, #tpu.memory_space<vmem>>, vector<1x512xf32>,
      %get3A_204 = vector.shape_cast %get3A_203 : vector<1x512xf32> to vector<1x512xf32>
      %swap3A_205 = arith.index_cast %squeeze3A_198 : i32 to index
      %swap3A_206 = arith.constant 0 : index
      %swap3A_207 = tpu.vector_load %arg8[%swap3A_205, %swap3A_206] {strides = array<i32>} : memref<3x512xf32, #tpu.memory_space<vmem>>, vector<1x512xf32>,
      %swap3A_208 = vector.shape_cast %swap3A_207 : vector<1x512xf32> to vector<1x512xf32>
      %swap3A_209 = vector.shape_cast %get3A_204 : vector<1x512xf32> to vector<1x512xf32>
      tpu.vector_store %arg8[%swap3A_205, %swap3A_206], %swap3A_209 {add = true, strides = array<i32>} : memref<3x512xf32, #tpu.memory_space<vmem>>, vector<1x512xf32>,
      %slice3A_210 = vector.extract_strided_slice %get3A_30 {offsets = [14], sizes = [1], strides = [1]} : vector<16xi32> to vector<1xi32>
      %squeeze3A_211 = vector.extract %slice3A_210[0] : i32 from vector<1xi32>
      %add3A_212 = arith.constant 14 : i32
      %add3A_213 = arith.addi %add3A_26, %add3A_212 : i32
      %get3A_214 = arith.index_cast %add3A_213 : i32 to index
      %get3A_215 = arith.constant 0 : index
      %get3A_216 = tpu.vector_load %arg5[%get3A_214, %get3A_215] {strides = array<i32>} : memref<64x512xf32, #tpu.memory_space<vmem>>, vector<1x512xf32>,
      %get3A_217 = vector.shape_cast %get3A_216 : vector<1x512xf32> to vector<1x512xf32>
      %swap3A_218 = arith.index_cast %squeeze3A_211 : i32 to index
      %swap3A_219 = arith.constant 0 : index
      %swap3A_220 = tpu.vector_load %arg8[%swap3A_218, %swap3A_219] {strides = array<i32>} : memref<3x512xf32, #tpu.memory_space<vmem>>, vector<1x512xf32>,
      %swap3A_221 = vector.shape_cast %swap3A_220 : vector<1x512xf32> to vector<1x512xf32>
      %swap3A_222 = vector.shape_cast %get3A_217 : vector<1x512xf32> to vector<1x512xf32>
      tpu.vector_store %arg8[%swap3A_218, %swap3A_219], %swap3A_222 {add = true, strides = array<i32>} : memref<3x512xf32, #tpu.memory_space<vmem>>, vector<1x512xf32>,
      %slice3A_223 = vector.extract_strided_slice %get3A_30 {offsets = [15], sizes = [1], strides = [1]} : vector<16xi32> to vector<1xi32>
      %squeeze3A_224 = vector.extract %slice3A_223[0] : i32 from vector<1xi32>
      %add3A_225 = arith.constant 15 : i32
      %add3A_226 = arith.addi %add3A_26, %add3A_225 : i32
      %get3A_227 = arith.index_cast %add3A_226 : i32 to index
      %get3A_228 = arith.constant 0 : index
      %get3A_229 = tpu.vector_load %arg5[%get3A_227, %get3A_228] {strides = array<i32>} : memref<64x512xf32, #tpu.memory_space<vmem>>, vector<1x512xf32>,
      %get3A_230 = vector.shape_cast %get3A_229 : vector<1x512xf32> to vector<1x512xf32>
      %swap3A_231 = arith.index_cast %squeeze3A_224 : i32 to index
      %swap3A_232 = arith.constant 0 : index
      %swap3A_233 = tpu.vector_load %arg8[%swap3A_231, %swap3A_232] {strides = array<i32>} : memref<3x512xf32, #tpu.memory_space<vmem>>, vector<1x512xf32>,
      %swap3A_234 = vector.shape_cast %swap3A_233 : vector<1x512xf32> to vector<1x512xf32>
      %swap3A_235 = vector.shape_cast %get3A_230 : vector<1x512xf32> to vector<1x512xf32>
      tpu.vector_store %arg8[%swap3A_231, %swap3A_232], %swap3A_235 {add = true, strides = array<i32>} : memref<3x512xf32, #tpu.memory_space<vmem>>, vector<1x512xf32>,
    }
    %scan3A_21 = arith.constant 4 : i32
    "tpu.region"() ({
      %run_scoped3A = tpu.sem_alloc : memref<!tpu.dma_semaphore, #tpu.memory_space<semaphore_mem>>
      %dma_start3A_22 = arith.constant 0 : i32
      %dma_start3A_23 = arith.constant 0 : i32
      %dma_start3A_24 = tpu.memref_slice %arg4[%add3A, %dma_start3A_22, %dma_start3A_23] : memref<32x3x512xf32, #tpu.memory_space<hbm>> -> memref<1x3x512xf32, #tpu.memory_space<hbm>>
      %dma_start3A_25 = tpu.memref_squeeze %dma_start3A_24 : memref<1x3x512xf32, #tpu.memory_space<hbm>> -> memref<3x512xf32, #tpu.memory_space<hbm>>
      %dma_start3A_26 = arith.constant 0 : i32
      %dma_start3A_27 = arith.constant 0 : i32
      %dma_start3A_28 = tpu.memref_slice %arg4[%add3A, %dma_start3A_26, %dma_start3A_27] : memref<32x3x512xf32, #tpu.memory_space<hbm>> -> memref<1x3x512xf32, #tpu.memory_space<hbm>>
      %dma_start3A_29 = tpu.memref_squeeze %dma_start3A_28 : memref<1x3x512xf32, #tpu.memory_space<hbm>> -> memref<3x512xf32, #tpu.memory_space<hbm>>
      tpu.enqueue_dma source(%arg8 : memref<3x512xf32, #tpu.memory_space<vmem>>) target(%dma_start3A_29 : memref<3x512xf32, #tpu.memory_space<hbm>>) target_semaphore(%run_scoped3A : memref<!tpu.dma_semaphore, #tpu.memory_space<semaphore_mem>>)
      %dma_wait3A_30 = arith.constant 0 : i32
      %dma_wait3A_31 = arith.constant 0 : i32
      %dma_wait3A_32 = tpu.memref_slice %arg4[%add3A, %dma_wait3A_30, %dma_wait3A_31] : memref<32x3x512xf32, #tpu.memory_space<hbm>> -> memref<1x3x512xf32, #tpu.memory_space<hbm>>
      %dma_wait3A_33 = tpu.memref_squeeze %dma_wait3A_32 : memref<1x3x512xf32, #tpu.memory_space<hbm>> -> memref<3x512xf32, #tpu.memory_space<hbm>>
      %dma_wait3A_34 = arith.constant 0 : i32
      %dma_wait3A_35 = arith.constant 0 : i32
      %dma_wait3A_36 = tpu.memref_slice %arg4[%add3A, %dma_wait3A_34, %dma_wait3A_35] : memref<32x3x512xf32, #tpu.memory_space<hbm>> -> memref<1x3x512xf32, #tpu.memory_space<hbm>>
      %dma_wait3A_37 = tpu.memref_squeeze %dma_wait3A_36 : memref<1x3x512xf32, #tpu.memory_space<hbm>> -> memref<3x512xf32, #tpu.memory_space<hbm>>
      tpu.wait_dma2 semaphore(%run_scoped3A : memref<!tpu.dma_semaphore, #tpu.memory_space<semaphore_mem>>) src(%arg8 : memref<3x512xf32, #tpu.memory_space<vmem>>) dst(%dma_wait3A_37 : memref<3x512xf32, #tpu.memory_space<hbm>>)
      tpu.yield
    }) : () -> ()
    return
  }
}

module attributes {stable_mosaic.version = 14 : i64} {
  func.func @_tc_sums_kernel(%arg0: i32, %arg1: memref<1x3840xi32, #tpu.memory_space<vmem>>, %arg2: memref<3840x512xf32, #tpu.memory_space<vmem>>, %arg3: memref<3x512xf32, #tpu.memory_space<vmem>>, %arg4: memref<8x512xf32, #tpu.memory_space<vmem>>) attributes {dimension_semantics = [#tpu.dimension_semantics<arbitrary>], iteration_bounds = array<i64: 8>, scalar_prefetch = 0 : i64, scratch_operands = 1 : i64, tpu.core_type = #tpu.core_type<tc>, window_params = [{transform_indices = @transform_0, window_bounds = array<i64: 1, 3840>}, {transform_indices = @transform_1, window_bounds = array<i64: 3840, 512>}, {pipeline_mode = #tpu.pipeline_mode<synchronous>, transform_indices = @transform_2, window_bounds = array<i64: 3, 512>}]} {
    %eq3A = arith.constant 0 : i32
    %eq3A_0 = arith.cmpi eq, %arg0, %eq3A : i32
    %convert_element_type3A = arith.extui %eq3A_0 : i1 to i32
    %cond3A = arith.constant 0 : i32
    %cond3A_1 = arith.cmpi ne, %convert_element_type3A, %cond3A : i32
    scf.if %cond3A_1 {
      %broadcast_in_dim3A_24 = arith.constant 0.000000e+00 : f32
      %broadcast_in_dim3A_25 = vector.broadcast %broadcast_in_dim3A_24 : f32 to vector<8x512xf32>
      %swap3A_26 = arith.constant 0 : index
      %swap3A_27 = arith.constant 0 : index
      %swap3A_28 = vector.load %arg4[%swap3A_26, %swap3A_27] : memref<8x512xf32, #tpu.memory_space<vmem>>, vector<8x512xf32>
      tpu.vector_store %arg4[%swap3A_26, %swap3A_27], %broadcast_in_dim3A_25 {strides = array<i32>} : memref<8x512xf32, #tpu.memory_space<vmem>>, vector<8x512xf32>,
    } else {
    }
    %get3A = arith.constant 0 : index
    %get3A_2 = arith.constant 0 : index
    %get3A_3 = vector.load %arg1[%get3A, %get3A_2] : memref<1x3840xi32, #tpu.memory_space<vmem>>, vector<1x3840xi32>
    %get3A_4 = vector.shape_cast %get3A_3 : vector<1x3840xi32> to vector<3840xi32>
    %get3A_5 = arith.constant 0 : index
    %get3A_6 = arith.constant 0 : index
    %get3A_7 = vector.load %arg2[%get3A_5, %get3A_6] : memref<3840x512xf32, #tpu.memory_space<vmem>>, vector<3840x512xf32>
    %broadcast_in_dim3A = vector.shape_cast %get3A_4 : vector<3840xi32> to vector<1x3840xi32>
    %broadcast_in_dim3A_8 = vector.shape_cast %broadcast_in_dim3A : vector<1x3840xi32> to vector<1x3840xi32>
    %broadcast_in_dim3A_9 = vector.broadcast %broadcast_in_dim3A_8 : vector<1x3840xi32> to vector<8x3840xi32>
    %iota3A = tpu.iota {dimensions = array<i32: 0>} : vector<8x3840xi32>
    %eq3A_10 = arith.cmpi eq, %broadcast_in_dim3A_9, %iota3A : vector<8x3840xi32>
    %convert_element_type3A_11 = arith.extui %eq3A_10 : vector<8x3840xi1> to vector<8x3840xi32>
    %convert_element_type3A_12 = arith.sitofp %convert_element_type3A_11 : vector<8x3840xi32> to vector<8x3840xf32>
    %get3A_13 = arith.constant 0 : index
    %get3A_14 = arith.constant 0 : index
    %get3A_15 = vector.load %arg4[%get3A_13, %get3A_14] : memref<8x512xf32, #tpu.memory_space<vmem>>, vector<8x512xf32>
    %dot_general3A = arith.constant dense<0.000000e+00> : vector<8x512xf32>
    %dot_general3A_16 = tpu.matmul %convert_element_type3A_12, %get3A_7, %dot_general3A {dimension_numbers = #tpu.dot_dimension_numbers<[1], [0], [0], [1], [0, 0, 1, 1], [], []>, transpose_lhs_hint = false} : vector<8x3840xf32>, vector<3840x512xf32>, vector<8x512xf32> -> vector<8x512xf32>
    %add3A = arith.addf %get3A_15, %dot_general3A_16 : vector<8x512xf32>
    %swap3A = arith.constant 0 : index
    %swap3A_17 = arith.constant 0 : index
    %swap3A_18 = vector.load %arg4[%swap3A, %swap3A_17] : memref<8x512xf32, #tpu.memory_space<vmem>>, vector<8x512xf32>
    tpu.vector_store %arg4[%swap3A, %swap3A_17], %add3A {strides = array<i32>} : memref<8x512xf32, #tpu.memory_space<vmem>>, vector<8x512xf32>,
    %eq3A_19 = arith.constant 7 : i32
    %eq3A_20 = arith.cmpi eq, %arg0, %eq3A_19 : i32
    %convert_element_type3A_21 = arith.extui %eq3A_20 : i1 to i32
    %cond3A_22 = arith.constant 0 : i32
    %cond3A_23 = arith.cmpi ne, %convert_element_type3A_21, %cond3A_22 : i32
    scf.if %cond3A_23 {
      %get3A_24 = arith.constant 0 : index
      %get3A_25 = arith.constant 0 : index
      %get3A_26 = vector.load %arg4[%get3A_24, %get3A_25] : memref<8x512xf32, #tpu.memory_space<vmem>>, vector<3x512xf32>
      %swap3A_27 = arith.constant 0 : index
      %swap3A_28 = arith.constant 0 : index
      %swap3A_29 = vector.load %arg3[%swap3A_27, %swap3A_28] : memref<3x512xf32, #tpu.memory_space<vmem>>, vector<3x512xf32>
      tpu.vector_store %arg3[%swap3A_27, %swap3A_28], %get3A_26 {strides = array<i32>} : memref<3x512xf32, #tpu.memory_space<vmem>>, vector<3x512xf32>,
    } else {
    }
    return
  }
  func.func @transform_0(%arg0: i32) -> (i32, i32) {
    %c0_i32 = arith.constant 0 : i32
    %c0_i32_0 = arith.constant 0 : i32
    return %c0_i32, %arg0 : i32, i32
  }
  func.func @transform_1(%arg0: i32) -> (i32, i32) {
    %c0_i32 = arith.constant 0 : i32
    %c0_i32_0 = arith.constant 0 : i32
    return %arg0, %c0_i32 : i32, i32
  }
  func.func @transform_2(%arg0: i32) -> (i32, i32) {
    %c0_i32 = arith.constant 0 : i32
    %c0_i32_0 = arith.constant 0 : i32
    %c0_i32_1 = arith.constant 0 : i32
    return %c0_i32, %c0_i32_0 : i32, i32
  }
}

module attributes {stable_mosaic.version = 14 : i64} {
  func.func @_combine_kernel(%arg0: memref<1x32768xi32, #tpu.memory_space<vmem>>, %arg1: memref<3x512xf32, #tpu.memory_space<vmem>>, %arg2: memref<32x3x512xf32, #tpu.memory_space<vmem>>, %arg3: memref<3x512xf32, #tpu.memory_space<vmem>>) attributes {dimension_semantics = [], scalar_prefetch = 0 : i64, scratch_operands = 0 : i64, tpu.core_type = #tpu.core_type<tc>} {
    %get3A = arith.constant 0 : index
    %get3A_0 = arith.constant 0 : index
    %get3A_1 = vector.load %arg0[%get3A, %get3A_0] : memref<1x32768xi32, #tpu.memory_space<vmem>>, vector<1x32768xi32>
    %get3A_2 = vector.shape_cast %get3A_1 : vector<1x32768xi32> to vector<32768xi32>
    %broadcast_in_dim3A = vector.shape_cast %get3A_2 : vector<32768xi32> to vector<1x32768xi32>
    %broadcast_in_dim3A_3 = vector.shape_cast %broadcast_in_dim3A : vector<1x32768xi32> to vector<1x32768xi32>
    %broadcast_in_dim3A_4 = vector.broadcast %broadcast_in_dim3A_3 : vector<1x32768xi32> to vector<8x32768xi32>
    %iota3A = tpu.iota {dimensions = array<i32: 0>} : vector<8x32768xi32>
    %eq3A = arith.cmpi eq, %broadcast_in_dim3A_4, %iota3A : vector<8x32768xi32>
    %convert_element_type3A = arith.extui %eq3A : vector<8x32768xi1> to vector<8x32768xi32>
    %convert_element_type3A_5 = arith.sitofp %convert_element_type3A : vector<8x32768xi32> to vector<8x32768xf32>
    %reduce_sum3A = arith.constant dense<0.000000e+00> : vector<8xf32>
    %reduce_sum3A_6 = vector.multi_reduction <add>, %convert_element_type3A_5, %reduce_sum3A [1] : vector<8x32768xf32> to vector<8xf32>
    %broadcast_in_dim3A_7 = vector.shape_cast %reduce_sum3A_6 : vector<8xf32> to vector<8x1xf32>
    %get3A_8 = arith.constant 0 : index
    %get3A_9 = arith.constant 0 : index
    %get3A_10 = arith.constant 0 : index
    %get3A_11 = vector.load %arg2[%get3A_8, %get3A_9, %get3A_10] : memref<32x3x512xf32, #tpu.memory_space<vmem>>, vector<1x3x512xf32>
    %get3A_12 = vector.shape_cast %get3A_11 : vector<1x3x512xf32> to vector<3x512xf32>
    %get3A_13 = arith.constant 1 : index
    %get3A_14 = arith.constant 0 : index
    %get3A_15 = arith.constant 0 : index
    %get3A_16 = vector.load %arg2[%get3A_13, %get3A_14, %get3A_15] : memref<32x3x512xf32, #tpu.memory_space<vmem>>, vector<1x3x512xf32>
    %get3A_17 = vector.shape_cast %get3A_16 : vector<1x3x512xf32> to vector<3x512xf32>
    %add3A = arith.addf %get3A_12, %get3A_17 : vector<3x512xf32>
    %get3A_18 = arith.constant 2 : index
    %get3A_19 = arith.constant 0 : index
    %get3A_20 = arith.constant 0 : index
    %get3A_21 = vector.load %arg2[%get3A_18, %get3A_19, %get3A_20] : memref<32x3x512xf32, #tpu.memory_space<vmem>>, vector<1x3x512xf32>
    %get3A_22 = vector.shape_cast %get3A_21 : vector<1x3x512xf32> to vector<3x512xf32>
    %add3A_23 = arith.addf %add3A, %get3A_22 : vector<3x512xf32>
    %get3A_24 = arith.constant 3 : index
    %get3A_25 = arith.constant 0 : index
    %get3A_26 = arith.constant 0 : index
    %get3A_27 = vector.load %arg2[%get3A_24, %get3A_25, %get3A_26] : memref<32x3x512xf32, #tpu.memory_space<vmem>>, vector<1x3x512xf32>
    %get3A_28 = vector.shape_cast %get3A_27 : vector<1x3x512xf32> to vector<3x512xf32>
    %add3A_29 = arith.addf %add3A_23, %get3A_28 : vector<3x512xf32>
    %get3A_30 = arith.constant 4 : index
    %get3A_31 = arith.constant 0 : index
    %get3A_32 = arith.constant 0 : index
    %get3A_33 = vector.load %arg2[%get3A_30, %get3A_31, %get3A_32] : memref<32x3x512xf32, #tpu.memory_space<vmem>>, vector<1x3x512xf32>
    %get3A_34 = vector.shape_cast %get3A_33 : vector<1x3x512xf32> to vector<3x512xf32>
    %add3A_35 = arith.addf %add3A_29, %get3A_34 : vector<3x512xf32>
    %get3A_36 = arith.constant 5 : index
    %get3A_37 = arith.constant 0 : index
    %get3A_38 = arith.constant 0 : index
    %get3A_39 = vector.load %arg2[%get3A_36, %get3A_37, %get3A_38] : memref<32x3x512xf32, #tpu.memory_space<vmem>>, vector<1x3x512xf32>
    %get3A_40 = vector.shape_cast %get3A_39 : vector<1x3x512xf32> to vector<3x512xf32>
    %add3A_41 = arith.addf %add3A_35, %get3A_40 : vector<3x512xf32>
    %get3A_42 = arith.constant 6 : index
    %get3A_43 = arith.constant 0 : index
    %get3A_44 = arith.constant 0 : index
    %get3A_45 = vector.load %arg2[%get3A_42, %get3A_43, %get3A_44] : memref<32x3x512xf32, #tpu.memory_space<vmem>>, vector<1x3x512xf32>
    %get3A_46 = vector.shape_cast %get3A_45 : vector<1x3x512xf32> to vector<3x512xf32>
    %add3A_47 = arith.addf %add3A_41, %get3A_46 : vector<3x512xf32>
    %get3A_48 = arith.constant 7 : index
    %get3A_49 = arith.constant 0 : index
    %get3A_50 = arith.constant 0 : index
    %get3A_51 = vector.load %arg2[%get3A_48, %get3A_49, %get3A_50] : memref<32x3x512xf32, #tpu.memory_space<vmem>>, vector<1x3x512xf32>
    %get3A_52 = vector.shape_cast %get3A_51 : vector<1x3x512xf32> to vector<3x512xf32>
    %add3A_53 = arith.addf %add3A_47, %get3A_52 : vector<3x512xf32>
    %get3A_54 = arith.constant 8 : index
    %get3A_55 = arith.constant 0 : index
    %get3A_56 = arith.constant 0 : index
    %get3A_57 = vector.load %arg2[%get3A_54, %get3A_55, %get3A_56] : memref<32x3x512xf32, #tpu.memory_space<vmem>>, vector<1x3x512xf32>
    %get3A_58 = vector.shape_cast %get3A_57 : vector<1x3x512xf32> to vector<3x512xf32>
    %add3A_59 = arith.addf %add3A_53, %get3A_58 : vector<3x512xf32>
    %get3A_60 = arith.constant 9 : index
    %get3A_61 = arith.constant 0 : index
    %get3A_62 = arith.constant 0 : index
    %get3A_63 = vector.load %arg2[%get3A_60, %get3A_61, %get3A_62] : memref<32x3x512xf32, #tpu.memory_space<vmem>>, vector<1x3x512xf32>
    %get3A_64 = vector.shape_cast %get3A_63 : vector<1x3x512xf32> to vector<3x512xf32>
    %add3A_65 = arith.addf %add3A_59, %get3A_64 : vector<3x512xf32>
    %get3A_66 = arith.constant 10 : index
    %get3A_67 = arith.constant 0 : index
    %get3A_68 = arith.constant 0 : index
    %get3A_69 = vector.load %arg2[%get3A_66, %get3A_67, %get3A_68] : memref<32x3x512xf32, #tpu.memory_space<vmem>>, vector<1x3x512xf32>
    %get3A_70 = vector.shape_cast %get3A_69 : vector<1x3x512xf32> to vector<3x512xf32>
    %add3A_71 = arith.addf %add3A_65, %get3A_70 : vector<3x512xf32>
    %get3A_72 = arith.constant 11 : index
    %get3A_73 = arith.constant 0 : index
    %get3A_74 = arith.constant 0 : index
    %get3A_75 = vector.load %arg2[%get3A_72, %get3A_73, %get3A_74] : memref<32x3x512xf32, #tpu.memory_space<vmem>>, vector<1x3x512xf32>
    %get3A_76 = vector.shape_cast %get3A_75 : vector<1x3x512xf32> to vector<3x512xf32>
    %add3A_77 = arith.addf %add3A_71, %get3A_76 : vector<3x512xf32>
    %get3A_78 = arith.constant 12 : index
    %get3A_79 = arith.constant 0 : index
    %get3A_80 = arith.constant 0 : index
    %get3A_81 = vector.load %arg2[%get3A_78, %get3A_79, %get3A_80] : memref<32x3x512xf32, #tpu.memory_space<vmem>>, vector<1x3x512xf32>
    %get3A_82 = vector.shape_cast %get3A_81 : vector<1x3x512xf32> to vector<3x512xf32>
    %add3A_83 = arith.addf %add3A_77, %get3A_82 : vector<3x512xf32>
    %get3A_84 = arith.constant 13 : index
    %get3A_85 = arith.constant 0 : index
    %get3A_86 = arith.constant 0 : index
    %get3A_87 = vector.load %arg2[%get3A_84, %get3A_85, %get3A_86] : memref<32x3x512xf32, #tpu.memory_space<vmem>>, vector<1x3x512xf32>
    %get3A_88 = vector.shape_cast %get3A_87 : vector<1x3x512xf32> to vector<3x512xf32>
    %add3A_89 = arith.addf %add3A_83, %get3A_88 : vector<3x512xf32>
    %get3A_90 = arith.constant 14 : index
    %get3A_91 = arith.constant 0 : index
    %get3A_92 = arith.constant 0 : index
    %get3A_93 = vector.load %arg2[%get3A_90, %get3A_91, %get3A_92] : memref<32x3x512xf32, #tpu.memory_space<vmem>>, vector<1x3x512xf32>
    %get3A_94 = vector.shape_cast %get3A_93 : vector<1x3x512xf32> to vector<3x512xf32>
    %add3A_95 = arith.addf %add3A_89, %get3A_94 : vector<3x512xf32>
    %get3A_96 = arith.constant 15 : index
    %get3A_97 = arith.constant 0 : index
    %get3A_98 = arith.constant 0 : index
    %get3A_99 = vector.load %arg2[%get3A_96, %get3A_97, %get3A_98] : memref<32x3x512xf32, #tpu.memory_space<vmem>>, vector<1x3x512xf32>
    %get3A_100 = vector.shape_cast %get3A_99 : vector<1x3x512xf32> to vector<3x512xf32>
    %add3A_101 = arith.addf %add3A_95, %get3A_100 : vector<3x512xf32>
    %get3A_102 = arith.constant 16 : index
    %get3A_103 = arith.constant 0 : index
    %get3A_104 = arith.constant 0 : index
    %get3A_105 = vector.load %arg2[%get3A_102, %get3A_103, %get3A_104] : memref<32x3x512xf32, #tpu.memory_space<vmem>>, vector<1x3x512xf32>
    %get3A_106 = vector.shape_cast %get3A_105 : vector<1x3x512xf32> to vector<3x512xf32>
    %add3A_107 = arith.addf %add3A_101, %get3A_106 : vector<3x512xf32>
    %get3A_108 = arith.constant 17 : index
    %get3A_109 = arith.constant 0 : index
    %get3A_110 = arith.constant 0 : index
    %get3A_111 = vector.load %arg2[%get3A_108, %get3A_109, %get3A_110] : memref<32x3x512xf32, #tpu.memory_space<vmem>>, vector<1x3x512xf32>
    %get3A_112 = vector.shape_cast %get3A_111 : vector<1x3x512xf32> to vector<3x512xf32>
    %add3A_113 = arith.addf %add3A_107, %get3A_112 : vector<3x512xf32>
    %get3A_114 = arith.constant 18 : index
    %get3A_115 = arith.constant 0 : index
    %get3A_116 = arith.constant 0 : index
    %get3A_117 = vector.load %arg2[%get3A_114, %get3A_115, %get3A_116] : memref<32x3x512xf32, #tpu.memory_space<vmem>>, vector<1x3x512xf32>
    %get3A_118 = vector.shape_cast %get3A_117 : vector<1x3x512xf32> to vector<3x512xf32>
    %add3A_119 = arith.addf %add3A_113, %get3A_118 : vector<3x512xf32>
    %get3A_120 = arith.constant 19 : index
    %get3A_121 = arith.constant 0 : index
    %get3A_122 = arith.constant 0 : index
    %get3A_123 = vector.load %arg2[%get3A_120, %get3A_121, %get3A_122] : memref<32x3x512xf32, #tpu.memory_space<vmem>>, vector<1x3x512xf32>
    %get3A_124 = vector.shape_cast %get3A_123 : vector<1x3x512xf32> to vector<3x512xf32>
    %add3A_125 = arith.addf %add3A_119, %get3A_124 : vector<3x512xf32>
    %get3A_126 = arith.constant 20 : index
    %get3A_127 = arith.constant 0 : index
    %get3A_128 = arith.constant 0 : index
    %get3A_129 = vector.load %arg2[%get3A_126, %get3A_127, %get3A_128] : memref<32x3x512xf32, #tpu.memory_space<vmem>>, vector<1x3x512xf32>
    %get3A_130 = vector.shape_cast %get3A_129 : vector<1x3x512xf32> to vector<3x512xf32>
    %add3A_131 = arith.addf %add3A_125, %get3A_130 : vector<3x512xf32>
    %get3A_132 = arith.constant 21 : index
    %get3A_133 = arith.constant 0 : index
    %get3A_134 = arith.constant 0 : index
    %get3A_135 = vector.load %arg2[%get3A_132, %get3A_133, %get3A_134] : memref<32x3x512xf32, #tpu.memory_space<vmem>>, vector<1x3x512xf32>
    %get3A_136 = vector.shape_cast %get3A_135 : vector<1x3x512xf32> to vector<3x512xf32>
    %add3A_137 = arith.addf %add3A_131, %get3A_136 : vector<3x512xf32>
    %get3A_138 = arith.constant 22 : index
    %get3A_139 = arith.constant 0 : index
    %get3A_140 = arith.constant 0 : index
    %get3A_141 = vector.load %arg2[%get3A_138, %get3A_139, %get3A_140] : memref<32x3x512xf32, #tpu.memory_space<vmem>>, vector<1x3x512xf32>
    %get3A_142 = vector.shape_cast %get3A_141 : vector<1x3x512xf32> to vector<3x512xf32>
    %add3A_143 = arith.addf %add3A_137, %get3A_142 : vector<3x512xf32>
    %get3A_144 = arith.constant 23 : index
    %get3A_145 = arith.constant 0 : index
    %get3A_146 = arith.constant 0 : index
    %get3A_147 = vector.load %arg2[%get3A_144, %get3A_145, %get3A_146] : memref<32x3x512xf32, #tpu.memory_space<vmem>>, vector<1x3x512xf32>
    %get3A_148 = vector.shape_cast %get3A_147 : vector<1x3x512xf32> to vector<3x512xf32>
    %add3A_149 = arith.addf %add3A_143, %get3A_148 : vector<3x512xf32>
    %get3A_150 = arith.constant 24 : index
    %get3A_151 = arith.constant 0 : index
    %get3A_152 = arith.constant 0 : index
    %get3A_153 = vector.load %arg2[%get3A_150, %get3A_151, %get3A_152] : memref<32x3x512xf32, #tpu.memory_space<vmem>>, vector<1x3x512xf32>
    %get3A_154 = vector.shape_cast %get3A_153 : vector<1x3x512xf32> to vector<3x512xf32>
    %add3A_155 = arith.addf %add3A_149, %get3A_154 : vector<3x512xf32>
    %get3A_156 = arith.constant 25 : index
    %get3A_157 = arith.constant 0 : index
    %get3A_158 = arith.constant 0 : index
    %get3A_159 = vector.load %arg2[%get3A_156, %get3A_157, %get3A_158] : memref<32x3x512xf32, #tpu.memory_space<vmem>>, vector<1x3x512xf32>
    %get3A_160 = vector.shape_cast %get3A_159 : vector<1x3x512xf32> to vector<3x512xf32>
    %add3A_161 = arith.addf %add3A_155, %get3A_160 : vector<3x512xf32>
    %get3A_162 = arith.constant 26 : index
    %get3A_163 = arith.constant 0 : index
    %get3A_164 = arith.constant 0 : index
    %get3A_165 = vector.load %arg2[%get3A_162, %get3A_163, %get3A_164] : memref<32x3x512xf32, #tpu.memory_space<vmem>>, vector<1x3x512xf32>
    %get3A_166 = vector.shape_cast %get3A_165 : vector<1x3x512xf32> to vector<3x512xf32>
    %add3A_167 = arith.addf %add3A_161, %get3A_166 : vector<3x512xf32>
    %get3A_168 = arith.constant 27 : index
    %get3A_169 = arith.constant 0 : index
    %get3A_170 = arith.constant 0 : index
    %get3A_171 = vector.load %arg2[%get3A_168, %get3A_169, %get3A_170] : memref<32x3x512xf32, #tpu.memory_space<vmem>>, vector<1x3x512xf32>
    %get3A_172 = vector.shape_cast %get3A_171 : vector<1x3x512xf32> to vector<3x512xf32>
    %add3A_173 = arith.addf %add3A_167, %get3A_172 : vector<3x512xf32>
    %get3A_174 = arith.constant 28 : index
    %get3A_175 = arith.constant 0 : index
    %get3A_176 = arith.constant 0 : index
    %get3A_177 = vector.load %arg2[%get3A_174, %get3A_175, %get3A_176] : memref<32x3x512xf32, #tpu.memory_space<vmem>>, vector<1x3x512xf32>
    %get3A_178 = vector.shape_cast %get3A_177 : vector<1x3x512xf32> to vector<3x512xf32>
    %add3A_179 = arith.addf %add3A_173, %get3A_178 : vector<3x512xf32>
    %get3A_180 = arith.constant 29 : index
    %get3A_181 = arith.constant 0 : index
    %get3A_182 = arith.constant 0 : index
    %get3A_183 = vector.load %arg2[%get3A_180, %get3A_181, %get3A_182] : memref<32x3x512xf32, #tpu.memory_space<vmem>>, vector<1x3x512xf32>
    %get3A_184 = vector.shape_cast %get3A_183 : vector<1x3x512xf32> to vector<3x512xf32>
    %add3A_185 = arith.addf %add3A_179, %get3A_184 : vector<3x512xf32>
    %get3A_186 = arith.constant 30 : index
    %get3A_187 = arith.constant 0 : index
    %get3A_188 = arith.constant 0 : index
    %get3A_189 = vector.load %arg2[%get3A_186, %get3A_187, %get3A_188] : memref<32x3x512xf32, #tpu.memory_space<vmem>>, vector<1x3x512xf32>
    %get3A_190 = vector.shape_cast %get3A_189 : vector<1x3x512xf32> to vector<3x512xf32>
    %add3A_191 = arith.addf %add3A_185, %get3A_190 : vector<3x512xf32>
    %get3A_192 = arith.constant 31 : index
    %get3A_193 = arith.constant 0 : index
    %get3A_194 = arith.constant 0 : index
    %get3A_195 = vector.load %arg2[%get3A_192, %get3A_193, %get3A_194] : memref<32x3x512xf32, #tpu.memory_space<vmem>>, vector<1x3x512xf32>
    %get3A_196 = vector.shape_cast %get3A_195 : vector<1x3x512xf32> to vector<3x512xf32>
    %add3A_197 = arith.addf %add3A_191, %get3A_196 : vector<3x512xf32>
    %get3A_198 = arith.constant 0 : index
    %get3A_199 = arith.constant 0 : index
    %get3A_200 = vector.load %arg1[%get3A_198, %get3A_199] : memref<3x512xf32, #tpu.memory_space<vmem>>, vector<3x512xf32>
    %add3A_201 = arith.addf %get3A_200, %add3A_197 : vector<3x512xf32>
    %slice3A = vector.extract_strided_slice %broadcast_in_dim3A_7 {offsets = [0, 0], sizes = [3, 1], strides = [1, 1]} : vector<8x1xf32> to vector<3x1xf32>
    %max3A = arith.constant 1.000000e+00 : f32
    %max3A_202 = vector.broadcast %max3A : f32 to vector<3x1xf32>
    %max3A_203 = arith.maximumf %slice3A, %max3A_202 : vector<3x1xf32>
    %div3A = vector.broadcast %max3A_203 : vector<3x1xf32> to vector<3x512xf32>
    %div3A_204 = arith.divf %add3A_201, %div3A : vector<3x512xf32>
    %swap3A = arith.constant 0 : index
    %swap3A_205 = arith.constant 0 : index
    %swap3A_206 = vector.load %arg3[%swap3A, %swap3A_205] : memref<3x512xf32, #tpu.memory_space<vmem>>, vector<3x512xf32>
    tpu.vector_store %arg3[%swap3A, %swap3A_205], %div3A_204 {strides = array<i32>} : memref<3x512xf32, #tpu.memory_space<vmem>>, vector<3x512xf32>,
    return
  }
}

</mosaic_0001>

<sc_bundles>
// kernel: kernel.5.cloned.1.call-start
scs
__scs_entry_jumppad:
0x0: {  	(pc) =	sbr.rel $0x88, $3  }
0x1: {  	(tag) =	ssettag $0x0;
	lr =	simm.s32 $0x1  }
0x2: {  	[smem:$0x3F9F] =	sst lr;
	_ =	strace $0xD0000000  }
0x3: {  	_ = 	snop  }
0x4: {  	_ = 	snop  }
0x5: {  	_ = 	snop  }
0x6: {  	_ = 	snop  }
0x7: {  	_ = 	snop  }
__scs_overlays_trampoline_lowered:
0x8: {  	[smem:$0x3FAE] =	sst s0  }
0x9: {  	[smem:$0x3FAF] =	sst s1  }
0xa: {  	[smem:$0x3FB0] =	sst s2  }
0xb: {  	[smem:$0x3FB1] =	sst s3  }
0xc: {  	[smem:$0x3FB2] =	sst s4  }
0xd: {  	[smem:$0x3FB3] =	sst s5  }
0xe: {  	[smem:$0x3FB4] =	sst s6  }
0xf: {  	[smem:$0x3FB5] =	sst s7  }
0x10: {  	[smem:$0x3FB6] =	sst s8  }
0x11: {  	[smem:$0x3FB7] =	sst s9;
	s0 =	simm.s32 @!p0 $0x0  }
0x12: {  	s1 =	sld [smem:$0x3F9D];
	s0 =	simm.s32 @p0 $0x1  }
0x13: {  	[smem:$0x3FB8] =	sst s0;
	s0 =	simm.s32 @!p1 $0x0  }
0x14: {  	s2 =	sld [smem:$0x3F9C];
	s0 =	simm.s32 @p1 $0x1  }
0x15: {  	[smem:$0x3FB9] =	sst s0;
	s0 =	simm.s32 @!p2 $0x0  }
0x16: {  	s3 =	sld [smem:$0x3FDB];
	s0 =	simm.s32 @p2 $0x1  }
0x17: {  	s4 =	simm.s32 $0x1BF5;
	[smem:$0x3FBB] =	sst s0  }
0x18: {  	s0 =	sld [smem:$0x3F9E];
	_ =	swait.ge [sflag:s4], $0x0  }
0x19: {  	s7 =	sld [smem:$0x3F9F]  }
0x1a: {  	s8 =	sadd.s32 $0xFFFFE003, lr  }
0x1b: {  	s9 =	sadd.s32 $0xFFFFFEF7, lr;
	s5 =	simm.s32 $0xFFFFFFFF;
	p2 =	slt.u32 s8, $0xFFFFF086  }
0x1c: {  	p1 =	slt.u32 s9, $0xF7A;
	s5 =	simm.s32 @!p2 $0x0  }
0x1d: {  	s5 =	simm.s32 @p1 $0x1;
	p0 =	seq.s32 s7, s2  }
0x1e: {  	s7 =	smul.u32 @!p0 $0xF7A, s2;
	p2 =	seq.s32 @!p0 s5, $0x0  }
0x1f: {  	s9 =	smul.u32 $0xF7A, s1;
	s8 =	simm.s32 @!p0 $0x1BF5;
	p2 =	por !p2, p0  }
0x20: {  	[sflag:s8] =	ssyncset.s32 @!p0 $0xFFFFF086;
	s6 =	sadd.s32 @!p0 s3, s7;
	s7 =	simm.s32 @!p0 $0x108  }
0x21: {  	s3 =	sadd.s32 s3, s9;
	s6 =	sadd.s32 @!p0 $0x88, s6;
	s7 =	simm.s32 @p2 $0x1082  }
0x22: {  	[simem:s7], [sflag:s8] =	dma.local @!p0 [hbm:s6], $0xF7A  }
0x23: {  	s9 =	sor.u32 $0xD0000000, s2;
	s6 =	simm.s32 $0x108;
	_ =	swait.ge @!p0 [sflag:s8], $0x0  }
0x24: {  	s3 =	sadd.s32 $0x88, s3;
	s6 =	simm.s32 @!p1 $0x1082;
	[sflag:s4] =	ssyncset.s32 $0xFFFFF086  }
0x25: {  	[simem:s6], [sflag:s4] =	dma.local [hbm:s3], $0xF7A  }
0x26: {  	[smem:$0x3F9F] =	sst s1;
	(tag) =	ssettag s2;
	_ =	strace s9  }
0x27: {  	s1 =	sld [smem:$0x3FAF]  }
0x28: {  	s2 =	sld [smem:$0x3FB0]  }
0x29: {  	s4 =	sld [smem:$0x3FB2]  }
0x2a: {  	p0 =	seq.s32 s5, $0x0;
	s5 =	sld [smem:$0x3FB3]  }
0x2b: {  	s6 =	sld [smem:$0x3FB4]  }
0x2c: {  	s7 =	sld [smem:$0x3FB5]  }
0x2d: {  	s3 =	simm.s32 $0x108;
	s8 =	sld [smem:$0x3FB6]  }
0x2e: {  	s3 =	simm.s32 @!p0 $0x1082;
	s9 =	sld [smem:$0x3FB7]  }
0x2f: {  	lr =	sadd.s32 s0, s3;
	s0 =	sld [smem:$0x3FAE]  }
0x30: {  	s3 =	sld [smem:$0x3FB1]  }
0x31: {  	[smem:$0x3FBA] =	sst s10  }
0x32: {  	s10 =	sld [smem:$0x3FB8];
	_ =	sdelay $0x3  }
0x33: {  	p0 =	seq.s32 s10, $0x1;
	s10 =	sld [smem:$0x3FBA];
	_ =	sdelay $0x3  }
0x34: {  	[smem:$0x3FBA] =	sst s10  }
0x35: {  	s10 =	sld [smem:$0x3FB9];
	_ =	sdelay $0x3  }
0x36: {  	p1 =	seq.s32 s10, $0x1;
	s10 =	sld [smem:$0x3FBA];
	_ =	sdelay $0x3  }
0x37: {  	[smem:$0x3FBA] =	sst s10  }
0x38: {  	s10 =	sld [smem:$0x3FBB]  }
0x39: {  	_ = 	snop;
	(pc) =	sbr.ind lr, $3  }
0x3a: {  	_ = 	snop  }
0x3b: {  	_ = 	snop  }
0x3c: {  	p2 =	seq.s32 s10, $0x1;
	s10 =	sld [smem:$0x3FBA]  }
0x3d: {  	_ =	shalt  }
0x3e: {  	_ =	shalt  }
0x3f: {  	_ =	shalt  }
0x40: {  	_ =	shalt  }
0x41: {  	_ =	shalt  }
0x42: {  	_ =	shalt  }
0x43: {  	_ =	shalt  }
0x44: {  	_ =	shalt  }
0x45: {  	_ =	shalt  }
0x46: {  	_ =	shalt  }
0x47: {  	_ =	shalt  }
0x48: {  	_ =	shalt  }
0x49: {  	_ =	shalt  }
0x4a: {  	_ =	shalt  }
0x4b: {  	_ =	shalt  }
0x4c: {  	_ =	shalt  }
0x4d: {  	_ =	shalt  }
0x4e: {  	_ =	shalt  }
0x4f: {  	_ =	shalt  }
0x50: {  	_ =	shalt  }
0x51: {  	_ =	shalt  }
0x52: {  	_ =	shalt  }
0x53: {  	_ =	shalt  }
0x54: {  	_ =	shalt  }
0x55: {  	_ =	shalt  }
0x56: {  	_ =	shalt  }
0x57: {  	_ =	shalt  }
0x58: {  	_ =	shalt  }
0x59: {  	_ =	shalt  }
0x5a: {  	_ =	shalt  }
0x5b: {  	_ =	shalt  }
0x5c: {  	_ =	shalt  }
0x5d: {  	_ =	shalt  }
0x5e: {  	_ =	shalt  }
0x5f: {  	_ =	shalt  }
0x60: {  	_ =	shalt  }
0x61: {  	_ =	shalt  }
0x62: {  	_ =	shalt  }
0x63: {  	_ =	shalt  }
0x64: {  	_ =	shalt  }
0x65: {  	_ =	shalt  }
0x66: {  	_ =	shalt  }
0x67: {  	_ =	shalt  }
0x68: {  	_ =	shalt  }
0x69: {  	_ =	shalt  }
0x6a: {  	_ =	shalt  }
0x6b: {  	_ =	shalt  }
0x6c: {  	_ =	shalt  }
0x6d: {  	_ =	shalt  }
0x6e: {  	_ =	shalt  }
0x6f: {  	_ =	shalt  }
0x70: {  	_ =	shalt  }
0x71: {  	_ =	shalt  }
0x72: {  	_ =	shalt  }
0x73: {  	_ =	shalt  }
0x74: {  	_ =	shalt  }
0x75: {  	_ =	shalt  }
0x76: {  	_ =	shalt  }
0x77: {  	_ =	shalt  }
0x78: {  	_ =	shalt  }
0x79: {  	_ =	shalt  }
0x7a: {  	_ =	shalt  }
0x7b: {  	_ =	shalt  }
0x7c: {  	_ =	shalt  }
0x7d: {  	_ =	shalt  }
0x7e: {  	_ =	shalt  }
0x7f: {  	_ =	shalt  }
0x80: {  	_ =	shalt  }
0x81: {  	_ =	shalt  }
0x82: {  	_ =	shalt  }
0x83: {  	_ =	shalt  }
0x84: {  	_ =	shalt  }
0x85: {  	_ =	shalt  }
0x86: {  	_ =	shalt  }
0x87: {  	_ =	shalt  }
.Lfunc_end0:
.L_simem_size_0:
called_computation_lowered:
.L_overlay_start_0:
0x88: {  	s2 =	sld [smem:$0x3FD9]  }
0x89: {  	s3 =	sld [smem:$0x3FFE];
	_ =	sdelay $0x1  }
0x8a: {  	s1 =	srdreg.scid  }
0x8b: {  	s0 =	sand.u32 $0x1, s1  }
0x8c: {  	s17 =	sshll.u32 s0, $0xA;
	s2 =	sadd.s32 s3, s2  }
0x8d: {  	s2 =	sadd.s32 s2, s17  }
0x8e: {  	[smem:$0x3FC6] =	sst s2  }
0x8f: {  	_ = 	snop  }
0x90: {  	s2 =	sld [smem:$0x3FC9]  }
0x91: {  	s18 =	sld [smem:$0x3FC8];
	(tm) =	ssettm $0x1  }
0x92: {  	s4 =	sld [smem:$0x3FFB];
	_ =	sdelay $0x3  }
0x93: {  	_ =	strace s4  }
0x94: {  	s4 =	sld [smem:$0x3FFC];
	_ =	sdelay $0x3  }
0x95: {  	_ =	strace s4  }
0x96: {  	s4 =	sld [smem:$0x3FFD];
	_ =	sdelay $0x3  }
0x97: {  	_ =	strace s4  }
0x98: {  	_ =	strace $0x8FFFFFFF  }
0x99: {  	s19 =	sld [smem:$0x3FDB];
	_ =	sdelay $0x1  }
0x9a: {  	s5 =	simm.s32 $_scs_section_size  }
0x9b: {  	s6 =	simm.s32 $_size__tile_overlayer_lowered;
	s7 =	simm.s32 $_tile_overlayer_lowered  }
0x9c: {  	s22 =	simm.s32 $0x1BFF;
	s21 =	sshll.u32 s7, $0x1;
	s4 =	sadd.s32 s5, s19  }
0x9d: {  	s8 =	simm.s32 $0x0;
	s20 =	sshll.u32 s6, $0x1;
	s6 =	sadd.s32 s21, s4  }
0x9e: {  	[timem:s8], [sflag:s22] =	dma.local [hbm:s6], s20  }
0x9f: {  	_ =	swait.ge [sflag:s22], s20  }
0xa0: {  	s5 =	ssub.s32 $0x0, s20;
	[sflag:s22] =	ssyncset.done $0x0  }
0xa1: {  	[sflag:s22] =	ssyncadd.s32 s5;
	_ =	sdelay $0x1  }
0xa2: {  	s23 =	simm.s32 $0x1B8B  }
0xa3: {  	_ =	swait.ge [sflag:s23], $0x1  }
0xa4: {  	[sflag:s23] =	ssyncset.done $0x0  }
0xa5: {  	s25 =	simm.s32 $0x1B8E;
	s24 =	sld [smem:$0x3FFE];
	[sflag:s23] =	ssyncadd.s32 $0xFFFFFFFF  }
0xa6: {  	s26 =	simm.s32 $execute0_lowered;
	[smem:$0x3FD2] =	sst s25  }
0xa7: {  	s6 =	sshll.u32 s26, $0x1;
	_ =	strace $0x80000046;
	[dreg:$0x1] =	wrdreg $0xFFFFFFFF  }
0xa8: {  	s28 =	simm.s32 $_size_execute0_lowered;
	s4 =	sadd.s32 s4, s6;
	[dreg:$0x0] =	wrdreg $0x0  }
0xa9: {  	s6 =	sshll.u32 s28, $0x1;
	[dreg:$0x2] =	wrdreg s4  }
0xaa: {  	[dreg:$0x3] =	wrdreg s6  }
0xab: {  	[dreg:$0x4] =	wrdreg $0xC0  }
0xac: {  	_ =	task [dreg:s8], $0x5FFFF  }
0xad: {  	[dreg:$0x1] =	wrdreg $0xFFFFFFFF  }
0xae: {  	[dreg:$0x0] =	wrdreg $0x60  }
0xaf: {  	[dreg:$0x2] =	wrdreg s2  }
0xb0: {  	[dreg:$0x3] =	wrdreg s18  }
0xb1: {  	[dreg:$0x4] =	wrdreg s24  }
0xb2: {  	[dreg:$0x5] =	wrdreg $0x9  }
0xb3: {  	_ =	task.clear_ibuf [dreg:s8], $0x6FFFF;
	_ =	strace $0x90000046  }
0xb4: {  	s29 =	simm.s32 $0x9;
	_ =	strace $0x80000048  }
0xb5: {  	_ =	swait.ge [sflag:s29], $0x1  }
0xb6: {  	[sflag:s29] =	ssyncadd.s32 $0xFFFFFFFF  }
0xb7: {  	_ =	strace $0x90000048  }
0xb8: {  	_ =	sfence  }
0xb9: {  	s30 =	sld [smem:$0x0];
	_ =	sdelay $0x2  }
0xba: {  	s31 =	sshll.u32 s1, $0xD;
	s1 =	sshrl.u32 s1, $0x2  }
0xbb: {  	s3 =	sand.u32 $0x4000, s31;
	s1 =	sadd.s32 s1, s30  }
0xbc: {  	s0 =	sor.u32 s3, s0;
	s1 =	sshll.u32 s1, $0x11  }
0xbd: {  	s0 =	sor.u32 s1, s0  }
0xbe: {  	s0 =	sadd.s32 $0x8F2B, s0  }
0xbf: {  	[sflag:s0] =	ssyncadd.remote.s32 $0x1  }
0xc0: {  	_ =	sfence.sel $0xFFFF  }
0xc1: {  	[dreg:$0x0] =	wrdreg $0xFFFFFFFF;
	(pc) =	sbr.abs _section_cstart, $3  }
0xc2: {  	[dreg:$0x1] =	wrdreg $0xFFFFFFFF  }
0xc3: {  	_ =	task.clear_ibuf [dreg:s8], $0x2FFFF;
	_ =	strace $0x9FFFFFFF  }
0xc4: {  	(tm) =	ssettm $0x7FFFFFFF  }
0xc5: {  	_ =	shalt  }
tec
execute0_lowered:
.L_overlay_start_1:
0x0: {  	(tag) =	ssettag $0x1  }
0x1: {  	s4 =	rddreg [dreg:$0x0]  }
0x2: {  	s3 =	rddreg [dreg:$0x1]  }
0x3: {  	s5 =	rddreg [dreg:$0x2]  }
0x4: {  	s0 =	rddreg [dreg:$0x3];
	s2 =	simm.s32 $0x0;
	s6 =	srdreg.scid  }
0x5: {  	s1 =	stileid.u32;
	s9 =	simm.s32 $0x1;
	s10 =	simm.s32 $0x8080  }
0x6: {  	[smem:$0x7FF] =	sst s2;
	s6 =	sand.u32 $0x1, s6;
	s7 =	sshll.u32 s1, $0x1  }
0x7: {  	s11 =	simm.s32 $0x0;
	_ =	strace $0x80000047;
	s7 =	sor.u32 s6, s7  }
0x8: {  	s6 =	ssub.s32 $0x2, s6;
	s8 =	sshll.u32 s7, $0x8;
	s7 =	sshll.u32 s7, $0x6  }
0x9: {  	s30 =	sshrl.u32 s6, $0x1;
	s5 =	sadd.s32 s8, s5;
	s7 =	sor.u32 $0x7800, s7  }
0xa: {  	s6 =	ssub.s32 s6, s30;
	s8 =	simm.s32 $0x2;
	s31 =	sshrl.u32 s7, $0x3  }
0xb: {  	s7 =	sshll.u32 s7, $0x6;
	s5 =	sadd.s32 $0x800, s5;
	s6 =	smax.u32 s6, $0x1  }
0xc: {  	v0 =	vimm.f32 $0.0e+00;
	s3 =	sadd.s32 s3, s31;
	s4 =	sadd.s32 s4, s7;
	s7 =	simm.s32 $0x8000  }
.LBB2_1:
0xd: {  	s12 =	sand.u32 $0x70, s2;
	s13 =	sand.u32 $0x600, s2  }
0xe: {  	s12 =	sor.u32 s12, s13  }
0xf: {  	s14 =	simm.s32 $0x0;
	s13 =	simm.s32 $0x10;
	[tilespmem:s12+$0x8080] =	vst v0  }
.LBB2_2:
0x10: {  	p0 =	sne.s32 s13, $0x1F0  }
.Ltmp0:
0x11: {  	_ = 	snop;
	(pc) =	sbr.rel @p0 .LBB2_2-.Ltmp0, $4  }
0x12: {  	s14 =	sadd.s32 $0x40, s14  }
0x13: {  	s12 =	sand.u32 $0x70, s13;
	s15 =	sand.u32 $0x600, s14  }
0x14: {  	s12 =	sor.u32 s12, s15  }
0x15: {  	s13 =	sadd.s32 $0x10, s13;
	[tilespmem:s12+$0x8080] =	vst v0;
	s12 =	simm.s32 $0x0  }
0x16: {  	s13 =	sand.u32 $0x70, s12;
	s14 =	sand.u32 $0x600, s12  }
0x17: {  	s13 =	sor.u32 s13, s14  }
0x18: {  	s15 =	simm.s32 $0x0;
	s14 =	simm.s32 $0x10;
	[tilespmem:s13+$0x8100] =	vst v0  }
.LBB2_4:
0x19: {  	p0 =	sne.s32 s14, $0x1F0  }
.Ltmp1:
0x1a: {  	_ = 	snop;
	(pc) =	sbr.rel @p0 .LBB2_4-.Ltmp1, $4  }
0x1b: {  	s15 =	sadd.s32 $0x40, s15  }
0x1c: {  	s16 =	sand.u32 $0x70, s14;
	s17 =	sand.u32 $0x600, s15  }
0x1d: {  	s16 =	sor.u32 s16, s17  }
0x1e: {  	s14 =	sadd.s32 $0x10, s14;
	[tilespmem:s16+$0x8100] =	vst v0  }
0x1f: {  	s14 =	simm.s32 $0x10;
	[tilespmem:s13+$0x8180] =	vst v0  }
.LBB2_6:
0x20: {  	p0 =	sne.s32 s14, $0x1F0  }
.Ltmp2:
0x21: {  	_ = 	snop;
	(pc) =	sbr.rel @p0 .LBB2_6-.Ltmp2, $4  }
0x22: {  	s12 =	sadd.s32 $0x40, s12  }
0x23: {  	s13 =	sand.u32 $0x70, s14;
	s15 =	sand.u32 $0x600, s12  }
0x24: {  	s13 =	sor.u32 s13, s15  }
0x25: {  	s14 =	sadd.s32 $0x10, s14;
	[tilespmem:s13+$0x8180] =	vst v0  }
0x26: {  	s12 =	simm.s32 $0x0  }
0x27: {  	[tilespmem:s7], [sflag:$0x2] =	stream.linear.gather [hbm4b:s3+s12], $0x40, $0x38;
	[tilespmem:$0x8880] =	vst v63  }
0x28: {  	_ =	swait.ge [sflag:s8], $0x40  }
0x29: {  	[sflag:s8] =	ssyncset.done $0x0  }
0x2a: {  	[sflag:s8] =	ssyncadd.s32 $0xFFFFFFC0  }
0x2b: {  	[tilespmem:s12], [sflag:$0x1] =	stream.linear.gather [hbm4b:s4+s12], $0x8000, $0x38;
	[tilespmem:$0x8880] =	vst v63  }
0x2c: {  	_ =	swait.ge [sflag:s9], $0x8000  }
0x2d: {  	[sflag:s9] =	ssyncset.done $0x0  }
0x2e: {  	[sflag:s9] =	ssyncadd.s32 $0xFFFF8000  }
.LBB2_8:
0x2f: {  	s13 =	sshll.u32 s12, $0x4  }
0x30: {  	s14 =	sshll.u32 s12, $0xD;
	s13 =	sand.u32 $0x3FFFFFF0, s13  }
0x31: {  	v1 =	vld [tilespmem:s13+$0x8000];
	s13 =	sand.u32 $0x3FFFE000, s14  }
0x32: {  	v2 =	vld [tilespmem:s13+$0x0]  }
0x33: {  	v3 =	vld [tilespmem:s13+$0x10]  }
0x34: {  	v4 =	vld [tilespmem:s13+$0x20]  }
0x35: {  	v5 =	vld [tilespmem:s13+$0x30]  }
0x36: {  	v6 =	vld [tilespmem:s13+$0x40]  }
0x37: {  	v7 =	vld [tilespmem:s13+$0x50]  }
0x38: {  	v8 =	vld [tilespmem:s13+$0x60]  }
0x39: {  	v9 =	vld [tilespmem:s13+$0x70]  }
0x3a: {  	v10 =	vld [tilespmem:s13+$0x400]  }
0x3b: {  	v11 =	vld [tilespmem:s13+$0x410]  }
0x3c: {  	v12 =	vld [tilespmem:s13+$0x420]  }
0x3d: {  	v13 =	vld [tilespmem:s13+$0x430]  }
0x3e: {  	v14 =	vld [tilespmem:s13+$0x440]  }
0x3f: {  	v15 =	vld [tilespmem:s13+$0x450];
	(v2sf) =	vpush v1, $0x0  }
0x40: {  	v16 =	vld [tilespmem:s13+$0x460]  }
0x41: {  	v17 =	vld [tilespmem:s13+$0x470]  }
0x42: {  	v18 =	vld [tilespmem:s13+$0x800]  }
0x43: {  	v19 =	vld [tilespmem:s13+$0x810]  }
0x44: {  	v20 =	vld [tilespmem:s13+$0x820]  }
0x45: {  	v21 =	vld [tilespmem:s13+$0x830]  }
0x46: {  	v22 =	vld [tilespmem:s13+$0x840]  }
0x47: {  	v23 =	vld [tilespmem:s13+$0x850]  }
0x48: {  	v24 =	vld [tilespmem:s13+$0x860]  }
0x49: {  	v25 =	vld [tilespmem:s13+$0x870]  }
0x4a: {  	v26 =	vld [tilespmem:s13+$0xC00]  }
0x4b: {  	v27 =	vld [tilespmem:s13+$0xC10]  }
0x4c: {  	v28 =	vld [tilespmem:s13+$0xC20]  }
0x4d: {  	v29 =	vld [tilespmem:s13+$0xC30]  }
0x4e: {  	v30 =	vld [tilespmem:s13+$0xC40];
	s21 =	spop (v2sf)  }
0x4f: {  	v31 =	vld [tilespmem:s13+$0xC50];
	s15 =	sshll.u32 s21, $0x9;
	s14 =	sshll.u32 s21, $0x7  }
0x50: {  	v32 =	vld [tilespmem:s13+$0xC60];
	s16 =	sand.u32 $0xFFFFF800, s15;
	s14 =	sand.u32 $0x180, s14  }
0x51: {  	v33 =	vld [tilespmem:s13+$0xC70];
	s16 =	sor.u32 s14, s16  }
0x52: {  	[tilespmem:s16+$0x8080] =	vst.add.f32.msk $0xffff, v2  }
0x53: {  	[tilespmem:s16+$0x8090] =	vst.add.f32.msk $0xffff, v3  }
0x54: {  	[tilespmem:s16+$0x80A0] =	vst.add.f32.msk $0xffff, v4  }
0x55: {  	[tilespmem:s16+$0x80B0] =	vst.add.f32.msk $0xffff, v5  }
0x56: {  	[tilespmem:s16+$0x80C0] =	vst.add.f32.msk $0xffff, v6  }
0x57: {  	[tilespmem:s16+$0x80D0] =	vst.add.f32.msk $0xffff, v7  }
0x58: {  	[tilespmem:s16+$0x80E0] =	vst.add.f32.msk $0xffff, v8  }
0x59: {  	[tilespmem:s16+$0x80F0] =	vst.add.f32.msk $0xffff, v9  }
0x5a: {  	[tilespmem:s16+$0x8280] =	vst.add.f32.msk $0xffff, v10  }
0x5b: {  	[tilespmem:s16+$0x8290] =	vst.add.f32.msk $0xffff, v11  }
0x5c: {  	[tilespmem:s16+$0x82A0] =	vst.add.f32.msk $0xffff, v12  }
0x5d: {  	[tilespmem:s16+$0x82B0] =	vst.add.f32.msk $0xffff, v13  }
0x5e: {  	[tilespmem:s16+$0x82C0] =	vst.add.f32.msk $0xffff, v14  }
0x5f: {  	[tilespmem:s16+$0x82D0] =	vst.add.f32.msk $0xffff, v15  }
0x60: {  	[tilespmem:s16+$0x82E0] =	vst.add.f32.msk $0xffff, v16  }
0x61: {  	[tilespmem:s16+$0x82F0] =	vst.add.f32.msk $0xffff, v17  }
0x62: {  	[tilespmem:s16+$0x8480] =	vst.add.f32.msk $0xffff, v18  }
0x63: {  	[tilespmem:s16+$0x8490] =	vst.add.f32.msk $0xffff, v19  }
0x64: {  	[tilespmem:s16+$0x84A0] =	vst.add.f32.msk $0xffff, v20  }
0x65: {  	[tilespmem:s16+$0x84B0] =	vst.add.f32.msk $0xffff, v21  }
0x66: {  	[tilespmem:s16+$0x84C0] =	vst.add.f32.msk $0xffff, v22  }
0x67: {  	[tilespmem:s16+$0x84D0] =	vst.add.f32.msk $0xffff, v23  }
0x68: {  	s14 =	sor.u32 s15, s14;
	[tilespmem:s16+$0x84E0] =	vst.add.f32.msk $0xffff, v24  }
0x69: {  	s15 =	sor.u32 $0x600, s14;
	[tilespmem:s16+$0x84F0] =	vst.add.f32.msk $0xffff, v25  }
0x6a: {  	s22 =	sor.u32 $0x610, s14;
	[tilespmem:s15+$0x8080] =	vst.add.f32.msk $0xffff, v26  }
0x6b: {  	s23 =	sor.u32 $0x620, s14;
	[tilespmem:s22+$0x8080] =	vst.add.f32.msk $0xffff, v27  }
0x6c: {  	s24 =	sor.u32 $0x630, s14;
	[tilespmem:s23+$0x8080] =	vst.add.f32.msk $0xffff, v28  }
0x6d: {  	s25 =	sor.u32 $0x640, s14;
	[tilespmem:s24+$0x8080] =	vst.add.f32.msk $0xffff, v29  }
0x6e: {  	s26 =	sor.u32 $0x650, s14;
	[tilespmem:s25+$0x8080] =	vst.add.f32.msk $0xffff, v30  }
0x6f: {  	s28 =	sor.u32 $0x660, s14;
	[tilespmem:s26+$0x8080] =	vst.add.f32.msk $0xffff, v31  }
0x70: {  	s14 =	sor.u32 $0x670, s14;
	[tilespmem:s28+$0x8080] =	vst.add.f32.msk $0xffff, v32  }
0x71: {  	[tilespmem:s14+$0x8080] =	vst.add.f32.msk $0xffff, v33  }
0x72: {  	v2 =	vld [tilespmem:s13+$0x80]  }
0x73: {  	v3 =	vld [tilespmem:s13+$0x90]  }
0x74: {  	v39 =	vld [tilespmem:s13+$0xA0]  }
0x75: {  	v40 =	vld [tilespmem:s13+$0xB0]  }
0x76: {  	v41 =	vld [tilespmem:s13+$0xC0]  }
0x77: {  	v42 =	vld [tilespmem:s13+$0xD0]  }
0x78: {  	v43 =	vld [tilespmem:s13+$0xE0]  }
0x79: {  	v44 =	vld [tilespmem:s13+$0xF0]  }
0x7a: {  	v45 =	vld [tilespmem:s13+$0x480]  }
0x7b: {  	v46 =	vld [tilespmem:s13+$0x490]  }
0x7c: {  	v47 =	vld [tilespmem:s13+$0x4A0]  }
0x7d: {  	v48 =	vld [tilespmem:s13+$0x4B0]  }
0x7e: {  	v49 =	vld [tilespmem:s13+$0x4C0]  }
0x7f: {  	(v2sf) =	vpush v1, $0x1;
	v50 =	vld [tilespmem:s13+$0x4D0]  }
0x80: {  	v51 =	vld [tilespmem:s13+$0x4E0]  }
0x81: {  	v52 =	vld [tilespmem:s13+$0x4F0]  }
0x82: {  	v53 =	vld [tilespmem:s13+$0x880]  }
0x83: {  	v54 =	vld [tilespmem:s13+$0x890]  }
0x84: {  	v55 =	vld [tilespmem:s13+$0x8A0]  }
0x85: {  	v56 =	vld [tilespmem:s13+$0x8B0]  }
0x86: {  	v57 =	vld [tilespmem:s13+$0x8C0]  }
0x87: {  	v58 =	vld [tilespmem:s13+$0x8D0]  }
0x88: {  	v24 =	vld [tilespmem:s13+$0x8E0]  }
0x89: {  	v25 =	vld [tilespmem:s13+$0x8F0]  }
0x8a: {  	v26 =	vld [tilespmem:s13+$0xC80]  }
0x8b: {  	v27 =	vld [tilespmem:s13+$0xC90]  }
0x8c: {  	v28 =	vld [tilespmem:s13+$0xCA0]  }
0x8d: {  	v29 =	vld [tilespmem:s13+$0xCB0]  }
0x8e: {  	v30 =	vld [tilespmem:s13+$0xCC0];
	s29 =	spop (v2sf)  }
0x8f: {  	v31 =	vld [tilespmem:s13+$0xCD0];
	s30 =	sshll.u32 s29, $0x9;
	s14 =	sshll.u32 s29, $0x7  }
0x90: {  	v32 =	vld [tilespmem:s13+$0xCE0];
	s31 =	sand.u32 $0xFFFFF800, s30;
	s14 =	sand.u32 $0x180, s14  }
0x91: {  	v33 =	vld [tilespmem:s13+$0xCF0];
	s16 =	sor.u32 s14, s31  }
0x92: {  	[tilespmem:s16+$0x8080] =	vst.add.f32.msk $0xffff, v2  }
0x93: {  	[tilespmem:s16+$0x8090] =	vst.add.f32.msk $0xffff, v3  }
0x94: {  	[tilespmem:s16+$0x80A0] =	vst.add.f32.msk $0xffff, v39  }
0x95: {  	[tilespmem:s16+$0x80B0] =	vst.add.f32.msk $0xffff, v40  }
0x96: {  	[tilespmem:s16+$0x80C0] =	vst.add.f32.msk $0xffff, v41  }
0x97: {  	[tilespmem:s16+$0x80D0] =	vst.add.f32.msk $0xffff, v42  }
0x98: {  	[tilespmem:s16+$0x80E0] =	vst.add.f32.msk $0xffff, v43  }
0x99: {  	[tilespmem:s16+$0x80F0] =	vst.add.f32.msk $0xffff, v44  }
0x9a: {  	[tilespmem:s16+$0x8280] =	vst.add.f32.msk $0xffff, v45  }
0x9b: {  	[tilespmem:s16+$0x8290] =	vst.add.f32.msk $0xffff, v46  }
0x9c: {  	[tilespmem:s16+$0x82A0] =	vst.add.f32.msk $0xffff, v47  }
0x9d: {  	[tilespmem:s16+$0x82B0] =	vst.add.f32.msk $0xffff, v48  }
0x9e: {  	[tilespmem:s16+$0x82C0] =	vst.add.f32.msk $0xffff, v49  }
0x9f: {  	[tilespmem:s16+$0x82D0] =	vst.add.f32.msk $0xffff, v50  }
0xa0: {  	[tilespmem:s16+$0x82E0] =	vst.add.f32.msk $0xffff, v51  }
0xa1: {  	[tilespmem:s16+$0x82F0] =	vst.add.f32.msk $0xffff, v52  }
0xa2: {  	[tilespmem:s16+$0x8480] =	vst.add.f32.msk $0xffff, v53  }
0xa3: {  	[tilespmem:s16+$0x8490] =	vst.add.f32.msk $0xffff, v54  }
0xa4: {  	[tilespmem:s16+$0x84A0] =	vst.add.f32.msk $0xffff, v55  }
0xa5: {  	[tilespmem:s16+$0x84B0] =	vst.add.f32.msk $0xffff, v56  }
0xa6: {  	[tilespmem:s16+$0x84C0] =	vst.add.f32.msk $0xffff, v57  }
0xa7: {  	[tilespmem:s16+$0x84D0] =	vst.add.f32.msk $0xffff, v58  }
0xa8: {  	s14 =	sor.u32 s30, s14;
	[tilespmem:s16+$0x84E0] =	vst.add.f32.msk $0xffff, v24  }
0xa9: {  	[tilespmem:s16+$0x84F0] =	vst.add.f32.msk $0xffff, v25;
	s15 =	sor.u32 $0x600, s14  }
0xaa: {  	s16 =	sor.u32 $0x610, s14;
	[tilespmem:s15+$0x8080] =	vst.add.f32.msk $0xffff, v26  }
0xab: {  	s17 =	sor.u32 $0x620, s14;
	[tilespmem:s16+$0x8080] =	vst.add.f32.msk $0xffff, v27  }
0xac: {  	s18 =	sor.u32 $0x630, s14;
	[tilespmem:s17+$0x8080] =	vst.add.f32.msk $0xffff, v28  }
0xad: {  	s19 =	sor.u32 $0x640, s14;
	[tilespmem:s18+$0x8080] =	vst.add.f32.msk $0xffff, v29  }
0xae: {  	s20 =	sor.u32 $0x650, s14;
	[tilespmem:s19+$0x8080] =	vst.add.f32.msk $0xffff, v30  }
0xaf: {  	s21 =	sor.u32 $0x660, s14;
	[tilespmem:s20+$0x8080] =	vst.add.f32.msk $0xffff, v31  }
0xb0: {  	s14 =	sor.u32 $0x670, s14;
	[tilespmem:s21+$0x8080] =	vst.add.f32.msk $0xffff, v32  }
0xb1: {  	[tilespmem:s14+$0x8080] =	vst.add.f32.msk $0xffff, v33  }
0xb2: {  	v2 =	vld [tilespmem:s13+$0x100]  }
0xb3: {  	v3 =	vld [tilespmem:s13+$0x110]  }
0xb4: {  	v4 =	vld [tilespmem:s13+$0x120]  }
0xb5: {  	v5 =	vld [tilespmem:s13+$0x130]  }
0xb6: {  	v6 =	vld [tilespmem:s13+$0x140]  }
0xb7: {  	v7 =	vld [tilespmem:s13+$0x150]  }
0xb8: {  	v8 =	vld [tilespmem:s13+$0x160]  }
0xb9: {  	v9 =	vld [tilespmem:s13+$0x170]  }
0xba: {  	v10 =	vld [tilespmem:s13+$0x500]  }
0xbb: {  	v11 =	vld [tilespmem:s13+$0x510]  }
0xbc: {  	v12 =	vld [tilespmem:s13+$0x520]  }
0xbd: {  	v13 =	vld [tilespmem:s13+$0x530]  }
0xbe: {  	v14 =	vld [tilespmem:s13+$0x540]  }
0xbf: {  	(v2sf) =	vpush v1, $0x2;
	v15 =	vld [tilespmem:s13+$0x550]  }
0xc0: {  	v16 =	vld [tilespmem:s13+$0x560]  }
0xc1: {  	v17 =	vld [tilespmem:s13+$0x570]  }
0xc2: {  	v18 =	vld [tilespmem:s13+$0x900]  }
0xc3: {  	v19 =	vld [tilespmem:s13+$0x910]  }
0xc4: {  	v20 =	vld [tilespmem:s13+$0x920]  }
0xc5: {  	v21 =	vld [tilespmem:s13+$0x930]  }
0xc6: {  	v22 =	vld [tilespmem:s13+$0x940]  }
0xc7: {  	v23 =	vld [tilespmem:s13+$0x950]  }
0xc8: {  	v24 =	vld [tilespmem:s13+$0x960]  }
0xc9: {  	v25 =	vld [tilespmem:s13+$0x970]  }
0xca: {  	v26 =	vld [tilespmem:s13+$0xD00]  }
0xcb: {  	v27 =	vld [tilespmem:s13+$0xD10]  }
0xcc: {  	v28 =	vld [tilespmem:s13+$0xD20]  }
0xcd: {  	v29 =	vld [tilespmem:s13+$0xD30]  }
0xce: {  	v30 =	vld [tilespmem:s13+$0xD40];
	s22 =	spop (v2sf)  }
0xcf: {  	v31 =	vld [tilespmem:s13+$0xD50];
	s23 =	sshll.u32 s22, $0x9;
	s14 =	sshll.u32 s22, $0x7  }
0xd0: {  	v32 =	vld [tilespmem:s13+$0xD60];
	s24 =	sand.u32 $0xFFFFF800, s23;
	s14 =	sand.u32 $0x180, s14  }
0xd1: {  	v33 =	vld [tilespmem:s13+$0xD70];
	s16 =	sor.u32 s14, s24  }
0xd2: {  	[tilespmem:s16+$0x8080] =	vst.add.f32.msk $0xffff, v2  }
0xd3: {  	[tilespmem:s16+$0x8090] =	vst.add.f32.msk $0xffff, v3  }
0xd4: {  	[tilespmem:s16+$0x80A0] =	vst.add.f32.msk $0xffff, v4  }
0xd5: {  	[tilespmem:s16+$0x80B0] =	vst.add.f32.msk $0xffff, v5  }
0xd6: {  	[tilespmem:s16+$0x80C0] =	vst.add.f32.msk $0xffff, v6  }
0xd7: {  	[tilespmem:s16+$0x80D0] =	vst.add.f32.msk $0xffff, v7  }
0xd8: {  	[tilespmem:s16+$0x80E0] =	vst.add.f32.msk $0xffff, v8  }
0xd9: {  	[tilespmem:s16+$0x80F0] =	vst.add.f32.msk $0xffff, v9  }
0xda: {  	[tilespmem:s16+$0x8280] =	vst.add.f32.msk $0xffff, v10  }
0xdb: {  	[tilespmem:s16+$0x8290] =	vst.add.f32.msk $0xffff, v11  }
0xdc: {  	[tilespmem:s16+$0x82A0] =	vst.add.f32.msk $0xffff, v12  }
0xdd: {  	[tilespmem:s16+$0x82B0] =	vst.add.f32.msk $0xffff, v13  }
0xde: {  	[tilespmem:s16+$0x82C0] =	vst.add.f32.msk $0xffff, v14  }
0xdf: {  	[tilespmem:s16+$0x82D0] =	vst.add.f32.msk $0xffff, v15  }
0xe0: {  	[tilespmem:s16+$0x82E0] =	vst.add.f32.msk $0xffff, v16  }
0xe1: {  	[tilespmem:s16+$0x82F0] =	vst.add.f32.msk $0xffff, v17  }
0xe2: {  	[tilespmem:s16+$0x8480] =	vst.add.f32.msk $0xffff, v18  }
0xe3: {  	[tilespmem:s16+$0x8490] =	vst.add.f32.msk $0xffff, v19  }
0xe4: {  	[tilespmem:s16+$0x84A0] =	vst.add.f32.msk $0xffff, v20  }
0xe5: {  	[tilespmem:s16+$0x84B0] =	vst.add.f32.msk $0xffff, v21  }
0xe6: {  	[tilespmem:s16+$0x84C0] =	vst.add.f32.msk $0xffff, v22  }
0xe7: {  	[tilespmem:s16+$0x84D0] =	vst.add.f32.msk $0xffff, v23  }
0xe8: {  	s14 =	sor.u32 s23, s14;
	[tilespmem:s16+$0x84E0] =	vst.add.f32.msk $0xffff, v24  }
0xe9: {  	[tilespmem:s16+$0x84F0] =	vst.add.f32.msk $0xffff, v25;
	s15 =	sor.u32 $0x600, s14  }
0xea: {  	s25 =	sor.u32 $0x610, s14;
	[tilespmem:s15+$0x8080] =	vst.add.f32.msk $0xffff, v26  }
0xeb: {  	s26 =	sor.u32 $0x620, s14;
	[tilespmem:s25+$0x8080] =	vst.add.f32.msk $0xffff, v27  }
0xec: {  	s28 =	sor.u32 $0x630, s14;
	[tilespmem:s26+$0x8080] =	vst.add.f32.msk $0xffff, v28  }
0xed: {  	s29 =	sor.u32 $0x640, s14;
	[tilespmem:s28+$0x8080] =	vst.add.f32.msk $0xffff, v29  }
0xee: {  	s30 =	sor.u32 $0x650, s14;
	[tilespmem:s29+$0x8080] =	vst.add.f32.msk $0xffff, v30  }
0xef: {  	s31 =	sor.u32 $0x660, s14;
	[tilespmem:s30+$0x8080] =	vst.add.f32.msk $0xffff, v31  }
0xf0: {  	s14 =	sor.u32 $0x670, s14;
	[tilespmem:s31+$0x8080] =	vst.add.f32.msk $0xffff, v32  }
0xf1: {  	[tilespmem:s14+$0x8080] =	vst.add.f32.msk $0xffff, v33  }
0xf2: {  	v2 =	vld [tilespmem:s13+$0x180]  }
0xf3: {  	v3 =	vld [tilespmem:s13+$0x190]  }
0xf4: {  	v4 =	vld [tilespmem:s13+$0x1A0]  }
0xf5: {  	v5 =	vld [tilespmem:s13+$0x1B0]  }
0xf6: {  	v6 =	vld [tilespmem:s13+$0x1C0]  }
0xf7: {  	v7 =	vld [tilespmem:s13+$0x1D0]  }
0xf8: {  	v8 =	vld [tilespmem:s13+$0x1E0]  }
0xf9: {  	v9 =	vld [tilespmem:s13+$0x1F0]  }
0xfa: {  	v10 =	vld [tilespmem:s13+$0x580]  }
0xfb: {  	v11 =	vld [tilespmem:s13+$0x590]  }
0xfc: {  	v12 =	vld [tilespmem:s13+$0x5A0]  }
0xfd: {  	v13 =	vld [tilespmem:s13+$0x5B0]  }
0xfe: {  	v14 =	vld [tilespmem:s13+$0x5C0]  }
0xff: {  	(v2sf) =	vpush v1, $0x3;
	v15 =	vld [tilespmem:s13+$0x5D0]  }
0x100: {  	v16 =	vld [tilespmem:s13+$0x5E0]  }
0x101: {  	v17 =	vld [tilespmem:s13+$0x5F0]  }
0x102: {  	v18 =	vld [tilespmem:s13+$0x980]  }
0x103: {  	v19 =	vld [tilespmem:s13+$0x990]  }
0x104: {  	v20 =	vld [tilespmem:s13+$0x9A0]  }
0x105: {  	v21 =	vld [tilespmem:s13+$0x9B0]  }
0x106: {  	v22 =	vld [tilespmem:s13+$0x9C0]  }
0x107: {  	v23 =	vld [tilespmem:s13+$0x9D0]  }
0x108: {  	v24 =	vld [tilespmem:s13+$0x9E0]  }
0x109: {  	v25 =	vld [tilespmem:s13+$0x9F0]  }
0x10a: {  	v26 =	vld [tilespmem:s13+$0xD80]  }
0x10b: {  	v27 =	vld [tilespmem:s13+$0xD90]  }
0x10c: {  	v28 =	vld [tilespmem:s13+$0xDA0]  }
0x10d: {  	v29 =	vld [tilespmem:s13+$0xDB0]  }
0x10e: {  	v30 =	vld [tilespmem:s13+$0xDC0];
	s16 =	spop (v2sf)  }
0x10f: {  	v31 =	vld [tilespmem:s13+$0xDD0];
	s17 =	sshll.u32 s16, $0x9;
	s14 =	sshll.u32 s16, $0x7  }
0x110: {  	v32 =	vld [tilespmem:s13+$0xDE0];
	s18 =	sand.u32 $0xFFFFF800, s17;
	s14 =	sand.u32 $0x180, s14  }
0x111: {  	v33 =	vld [tilespmem:s13+$0xDF0];
	s16 =	sor.u32 s14, s18  }
0x112: {  	[tilespmem:s16+$0x8080] =	vst.add.f32.msk $0xffff, v2  }
0x113: {  	[tilespmem:s16+$0x8090] =	vst.add.f32.msk $0xffff, v3  }
0x114: {  	[tilespmem:s16+$0x80A0] =	vst.add.f32.msk $0xffff, v4  }
0x115: {  	[tilespmem:s16+$0x80B0] =	vst.add.f32.msk $0xffff, v5  }
0x116: {  	[tilespmem:s16+$0x80C0] =	vst.add.f32.msk $0xffff, v6  }
0x117: {  	[tilespmem:s16+$0x80D0] =	vst.add.f32.msk $0xffff, v7  }
0x118: {  	[tilespmem:s16+$0x80E0] =	vst.add.f32.msk $0xffff, v8  }
0x119: {  	[tilespmem:s16+$0x80F0] =	vst.add.f32.msk $0xffff, v9  }
0x11a: {  	[tilespmem:s16+$0x8280] =	vst.add.f32.msk $0xffff, v10  }
0x11b: {  	[tilespmem:s16+$0x8290] =	vst.add.f32.msk $0xffff, v11  }
0x11c: {  	[tilespmem:s16+$0x82A0] =	vst.add.f32.msk $0xffff, v12  }
0x11d: {  	[tilespmem:s16+$0x82B0] =	vst.add.f32.msk $0xffff, v13  }
0x11e: {  	[tilespmem:s16+$0x82C0] =	vst.add.f32.msk $0xffff, v14  }
0x11f: {  	[tilespmem:s16+$0x82D0] =	vst.add.f32.msk $0xffff, v15  }
0x120: {  	[tilespmem:s16+$0x82E0] =	vst.add.f32.msk $0xffff, v16  }
0x121: {  	[tilespmem:s16+$0x82F0] =	vst.add.f32.msk $0xffff, v17  }
0x122: {  	[tilespmem:s16+$0x8480] =	vst.add.f32.msk $0xffff, v18  }
0x123: {  	[tilespmem:s16+$0x8490] =	vst.add.f32.msk $0xffff, v19  }
0x124: {  	[tilespmem:s16+$0x84A0] =	vst.add.f32.msk $0xffff, v20  }
0x125: {  	[tilespmem:s16+$0x84B0] =	vst.add.f32.msk $0xffff, v21  }
0x126: {  	[tilespmem:s16+$0x84C0] =	vst.add.f32.msk $0xffff, v22  }
0x127: {  	[tilespmem:s16+$0x84D0] =	vst.add.f32.msk $0xffff, v23  }
0x128: {  	s14 =	sor.u32 s17, s14;
	[tilespmem:s16+$0x84E0] =	vst.add.f32.msk $0xffff, v24  }
0x129: {  	[tilespmem:s16+$0x84F0] =	vst.add.f32.msk $0xffff, v25;
	s15 =	sor.u32 $0x600, s14  }
0x12a: {  	s19 =	sor.u32 $0x610, s14;
	[tilespmem:s15+$0x8080] =	vst.add.f32.msk $0xffff, v26  }
0x12b: {  	s20 =	sor.u32 $0x620, s14;
	[tilespmem:s19+$0x8080] =	vst.add.f32.msk $0xffff, v27  }
0x12c: {  	s21 =	sor.u32 $0x630, s14;
	[tilespmem:s20+$0x8080] =	vst.add.f32.msk $0xffff, v28  }
0x12d: {  	s22 =	sor.u32 $0x640, s14;
	[tilespmem:s21+$0x8080] =	vst.add.f32.msk $0xffff, v29  }
0x12e: {  	s23 =	sor.u32 $0x650, s14;
	[tilespmem:s22+$0x8080] =	vst.add.f32.msk $0xffff, v30  }
0x12f: {  	s24 =	sor.u32 $0x660, s14;
	[tilespmem:s23+$0x8080] =	vst.add.f32.msk $0xffff, v31  }
0x130: {  	s14 =	sor.u32 $0x670, s14;
	[tilespmem:s24+$0x8080] =	vst.add.f32.msk $0xffff, v32  }
0x131: {  	[tilespmem:s14+$0x8080] =	vst.add.f32.msk $0xffff, v33  }
0x132: {  	v2 =	vld [tilespmem:s13+$0x200]  }
0x133: {  	v3 =	vld [tilespmem:s13+$0x210]  }
0x134: {  	v4 =	vld [tilespmem:s13+$0x220]  }
0x135: {  	v5 =	vld [tilespmem:s13+$0x230]  }
0x136: {  	v6 =	vld [tilespmem:s13+$0x240]  }
0x137: {  	v7 =	vld [tilespmem:s13+$0x250]  }
0x138: {  	v8 =	vld [tilespmem:s13+$0x260]  }
0x139: {  	v9 =	vld [tilespmem:s13+$0x270]  }
0x13a: {  	v10 =	vld [tilespmem:s13+$0x600]  }
0x13b: {  	v11 =	vld [tilespmem:s13+$0x610]  }
0x13c: {  	v12 =	vld [tilespmem:s13+$0x620]  }
0x13d: {  	v13 =	vld [tilespmem:s13+$0x630]  }
0x13e: {  	v14 =	vld [tilespmem:s13+$0x640]  }
0x13f: {  	(v2sf) =	vpush v1, $0x4;
	v15 =	vld [tilespmem:s13+$0x650]  }
0x140: {  	v16 =	vld [tilespmem:s13+$0x660]  }
0x141: {  	v17 =	vld [tilespmem:s13+$0x670]  }
0x142: {  	v18 =	vld [tilespmem:s13+$0xA00]  }
0x143: {  	v19 =	vld [tilespmem:s13+$0xA10]  }
0x144: {  	v20 =	vld [tilespmem:s13+$0xA20]  }
0x145: {  	v21 =	vld [tilespmem:s13+$0xA30]  }
0x146: {  	v22 =	vld [tilespmem:s13+$0xA40]  }
0x147: {  	v23 =	vld [tilespmem:s13+$0xA50]  }
0x148: {  	v24 =	vld [tilespmem:s13+$0xA60]  }
0x149: {  	v25 =	vld [tilespmem:s13+$0xA70]  }
0x14a: {  	v26 =	vld [tilespmem:s13+$0xE00]  }
0x14b: {  	v27 =	vld [tilespmem:s13+$0xE10]  }
0x14c: {  	v28 =	vld [tilespmem:s13+$0xE20]  }
0x14d: {  	v29 =	vld [tilespmem:s13+$0xE30]  }
0x14e: {  	v30 =	vld [tilespmem:s13+$0xE40];
	s25 =	spop (v2sf)  }
0x14f: {  	v31 =	vld [tilespmem:s13+$0xE50];
	s26 =	sshll.u32 s25, $0x9;
	s14 =	sshll.u32 s25, $0x7  }
0x150: {  	v32 =	vld [tilespmem:s13+$0xE60];
	s28 =	sand.u32 $0xFFFFF800, s26;
	s14 =	sand.u32 $0x180, s14  }
0x151: {  	v33 =	vld [tilespmem:s13+$0xE70];
	s16 =	sor.u32 s14, s28  }
0x152: {  	[tilespmem:s16+$0x8080] =	vst.add.f32.msk $0xffff, v2  }
0x153: {  	[tilespmem:s16+$0x8090] =	vst.add.f32.msk $0xffff, v3  }
0x154: {  	[tilespmem:s16+$0x80A0] =	vst.add.f32.msk $0xffff, v4  }
0x155: {  	[tilespmem:s16+$0x80B0] =	vst.add.f32.msk $0xffff, v5  }
0x156: {  	[tilespmem:s16+$0x80C0] =	vst.add.f32.msk $0xffff, v6  }
0x157: {  	[tilespmem:s16+$0x80D0] =	vst.add.f32.msk $0xffff, v7  }
0x158: {  	[tilespmem:s16+$0x80E0] =	vst.add.f32.msk $0xffff, v8  }
0x159: {  	[tilespmem:s16+$0x80F0] =	vst.add.f32.msk $0xffff, v9  }
0x15a: {  	[tilespmem:s16+$0x8280] =	vst.add.f32.msk $0xffff, v10  }
0x15b: {  	[tilespmem:s16+$0x8290] =	vst.add.f32.msk $0xffff, v11  }
0x15c: {  	[tilespmem:s16+$0x82A0] =	vst.add.f32.msk $0xffff, v12  }
0x15d: {  	[tilespmem:s16+$0x82B0] =	vst.add.f32.msk $0xffff, v13  }
0x15e: {  	[tilespmem:s16+$0x82C0] =	vst.add.f32.msk $0xffff, v14  }
0x15f: {  	[tilespmem:s16+$0x82D0] =	vst.add.f32.msk $0xffff, v15  }
0x160: {  	[tilespmem:s16+$0x82E0] =	vst.add.f32.msk $0xffff, v16  }
0x161: {  	[tilespmem:s16+$0x82F0] =	vst.add.f32.msk $0xffff, v17  }
0x162: {  	[tilespmem:s16+$0x8480] =	vst.add.f32.msk $0xffff, v18  }
0x163: {  	[tilespmem:s16+$0x8490] =	vst.add.f32.msk $0xffff, v19  }
0x164: {  	[tilespmem:s16+$0x84A0] =	vst.add.f32.msk $0xffff, v20  }
0x165: {  	[tilespmem:s16+$0x84B0] =	vst.add.f32.msk $0xffff, v21  }
0x166: {  	[tilespmem:s16+$0x84C0] =	vst.add.f32.msk $0xffff, v22  }
0x167: {  	[tilespmem:s16+$0x84D0] =	vst.add.f32.msk $0xffff, v23  }
0x168: {  	s14 =	sor.u32 s26, s14;
	[tilespmem:s16+$0x84E0] =	vst.add.f32.msk $0xffff, v24  }
0x169: {  	[tilespmem:s16+$0x84F0] =	vst.add.f32.msk $0xffff, v25;
	s15 =	sor.u32 $0x600, s14  }
0x16a: {  	s29 =	sor.u32 $0x610, s14;
	[tilespmem:s15+$0x8080] =	vst.add.f32.msk $0xffff, v26  }
0x16b: {  	s30 =	sor.u32 $0x620, s14;
	[tilespmem:s29+$0x8080] =	vst.add.f32.msk $0xffff, v27  }
0x16c: {  	s31 =	sor.u32 $0x630, s14;
	[tilespmem:s30+$0x8080] =	vst.add.f32.msk $0xffff, v28  }
0x16d: {  	s16 =	sor.u32 $0x640, s14;
	[tilespmem:s31+$0x8080] =	vst.add.f32.msk $0xffff, v29  }
0x16e: {  	s17 =	sor.u32 $0x650, s14;
	[tilespmem:s16+$0x8080] =	vst.add.f32.msk $0xffff, v30  }
0x16f: {  	s18 =	sor.u32 $0x660, s14;
	[tilespmem:s17+$0x8080] =	vst.add.f32.msk $0xffff, v31  }
0x170: {  	s14 =	sor.u32 $0x670, s14;
	[tilespmem:s18+$0x8080] =	vst.add.f32.msk $0xffff, v32  }
0x171: {  	[tilespmem:s14+$0x8080] =	vst.add.f32.msk $0xffff, v33  }
0x172: {  	v2 =	vld [tilespmem:s13+$0x280]  }
0x173: {  	v3 =	vld [tilespmem:s13+$0x290]  }
0x174: {  	v4 =	vld [tilespmem:s13+$0x2A0]  }
0x175: {  	v5 =	vld [tilespmem:s13+$0x2B0]  }
0x176: {  	v6 =	vld [tilespmem:s13+$0x2C0]  }
0x177: {  	v7 =	vld [tilespmem:s13+$0x2D0]  }
0x178: {  	v8 =	vld [tilespmem:s13+$0x2E0]  }
0x179: {  	v9 =	vld [tilespmem:s13+$0x2F0]  }
0x17a: {  	v10 =	vld [tilespmem:s13+$0x680]  }
0x17b: {  	v11 =	vld [tilespmem:s13+$0x690]  }
0x17c: {  	v12 =	vld [tilespmem:s13+$0x6A0]  }
0x17d: {  	v13 =	vld [tilespmem:s13+$0x6B0]  }
0x17e: {  	v14 =	vld [tilespmem:s13+$0x6C0]  }
0x17f: {  	(v2sf) =	vpush v1, $0x5;
	v15 =	vld [tilespmem:s13+$0x6D0]  }
0x180: {  	v16 =	vld [tilespmem:s13+$0x6E0]  }
0x181: {  	v17 =	vld [tilespmem:s13+$0x6F0]  }
0x182: {  	v18 =	vld [tilespmem:s13+$0xA80]  }
0x183: {  	v19 =	vld [tilespmem:s13+$0xA90]  }
0x184: {  	v20 =	vld [tilespmem:s13+$0xAA0]  }
0x185: {  	v21 =	vld [tilespmem:s13+$0xAB0]  }
0x186: {  	v22 =	vld [tilespmem:s13+$0xAC0]  }
0x187: {  	v23 =	vld [tilespmem:s13+$0xAD0]  }
0x188: {  	v24 =	vld [tilespmem:s13+$0xAE0]  }
0x189: {  	v25 =	vld [tilespmem:s13+$0xAF0]  }
0x18a: {  	v26 =	vld [tilespmem:s13+$0xE80]  }
0x18b: {  	v27 =	vld [tilespmem:s13+$0xE90]  }
0x18c: {  	v28 =	vld [tilespmem:s13+$0xEA0]  }
0x18d: {  	v29 =	vld [tilespmem:s13+$0xEB0]  }
0x18e: {  	v30 =	vld [tilespmem:s13+$0xEC0];
	s19 =	spop (v2sf)  }
0x18f: {  	v31 =	vld [tilespmem:s13+$0xED0];
	s20 =	sshll.u32 s19, $0x9;
	s14 =	sshll.u32 s19, $0x7  }
0x190: {  	v32 =	vld [tilespmem:s13+$0xEE0];
	s21 =	sand.u32 $0xFFFFF800, s20;
	s14 =	sand.u32 $0x180, s14  }
0x191: {  	v33 =	vld [tilespmem:s13+$0xEF0];
	s16 =	sor.u32 s14, s21  }
0x192: {  	[tilespmem:s16+$0x8080] =	vst.add.f32.msk $0xffff, v2  }
0x193: {  	[tilespmem:s16+$0x8090] =	vst.add.f32.msk $0xffff, v3  }
0x194: {  	[tilespmem:s16+$0x80A0] =	vst.add.f32.msk $0xffff, v4  }
0x195: {  	[tilespmem:s16+$0x80B0] =	vst.add.f32.msk $0xffff, v5  }
0x196: {  	[tilespmem:s16+$0x80C0] =	vst.add.f32.msk $0xffff, v6  }
0x197: {  	[tilespmem:s16+$0x80D0] =	vst.add.f32.msk $0xffff, v7  }
0x198: {  	[tilespmem:s16+$0x80E0] =	vst.add.f32.msk $0xffff, v8  }
0x199: {  	[tilespmem:s16+$0x80F0] =	vst.add.f32.msk $0xffff, v9  }
0x19a: {  	[tilespmem:s16+$0x8280] =	vst.add.f32.msk $0xffff, v10  }
0x19b: {  	[tilespmem:s16+$0x8290] =	vst.add.f32.msk $0xffff, v11  }
0x19c: {  	[tilespmem:s16+$0x82A0] =	vst.add.f32.msk $0xffff, v12  }
0x19d: {  	[tilespmem:s16+$0x82B0] =	vst.add.f32.msk $0xffff, v13  }
0x19e: {  	[tilespmem:s16+$0x82C0] =	vst.add.f32.msk $0xffff, v14  }
0x19f: {  	[tilespmem:s16+$0x82D0] =	vst.add.f32.msk $0xffff, v15  }
0x1a0: {  	[tilespmem:s16+$0x82E0] =	vst.add.f32.msk $0xffff, v16  }
0x1a1: {  	[tilespmem:s16+$0x82F0] =	vst.add.f32.msk $0xffff, v17  }
0x1a2: {  	[tilespmem:s16+$0x8480] =	vst.add.f32.msk $0xffff, v18  }
0x1a3: {  	[tilespmem:s16+$0x8490] =	vst.add.f32.msk $0xffff, v19  }
0x1a4: {  	[tilespmem:s16+$0x84A0] =	vst.add.f32.msk $0xffff, v20  }
0x1a5: {  	[tilespmem:s16+$0x84B0] =	vst.add.f32.msk $0xffff, v21  }
0x1a6: {  	[tilespmem:s16+$0x84C0] =	vst.add.f32.msk $0xffff, v22  }
0x1a7: {  	[tilespmem:s16+$0x84D0] =	vst.add.f32.msk $0xffff, v23  }
0x1a8: {  	s14 =	sor.u32 s20, s14;
	[tilespmem:s16+$0x84E0] =	vst.add.f32.msk $0xffff, v24  }
0x1a9: {  	[tilespmem:s16+$0x84F0] =	vst.add.f32.msk $0xffff, v25;
	s15 =	sor.u32 $0x600, s14  }
0x1aa: {  	s22 =	sor.u32 $0x610, s14;
	[tilespmem:s15+$0x8080] =	vst.add.f32.msk $0xffff, v26  }
0x1ab: {  	s23 =	sor.u32 $0x620, s14;
	[tilespmem:s22+$0x8080] =	vst.add.f32.msk $0xffff, v27  }
0x1ac: {  	s24 =	sor.u32 $0x630, s14;
	[tilespmem:s23+$0x8080] =	vst.add.f32.msk $0xffff, v28  }
0x1ad: {  	s25 =	sor.u32 $0x640, s14;
	[tilespmem:s24+$0x8080] =	vst.add.f32.msk $0xffff, v29  }
0x1ae: {  	s26 =	sor.u32 $0x650, s14;
	[tilespmem:s25+$0x8080] =	vst.add.f32.msk $0xffff, v30  }
0x1af: {  	s28 =	sor.u32 $0x660, s14;
	[tilespmem:s26+$0x8080] =	vst.add.f32.msk $0xffff, v31  }
0x1b0: {  	s14 =	sor.u32 $0x670, s14;
	[tilespmem:s28+$0x8080] =	vst.add.f32.msk $0xffff, v32  }
0x1b1: {  	[tilespmem:s14+$0x8080] =	vst.add.f32.msk $0xffff, v33  }
0x1b2: {  	v2 =	vld [tilespmem:s13+$0x300]  }
0x1b3: {  	v3 =	vld [tilespmem:s13+$0x310]  }
0x1b4: {  	v4 =	vld [tilespmem:s13+$0x320]  }
0x1b5: {  	v5 =	vld [tilespmem:s13+$0x330]  }
0x1b6: {  	v6 =	vld [tilespmem:s13+$0x340]  }
0x1b7: {  	v7 =	vld [tilespmem:s13+$0x350]  }
0x1b8: {  	v8 =	vld [tilespmem:s13+$0x360]  }
0x1b9: {  	v9 =	vld [tilespmem:s13+$0x370]  }
0x1ba: {  	v10 =	vld [tilespmem:s13+$0x700]  }
0x1bb: {  	v11 =	vld [tilespmem:s13+$0x710]  }
0x1bc: {  	v12 =	vld [tilespmem:s13+$0x720]  }
0x1bd: {  	v13 =	vld [tilespmem:s13+$0x730]  }
0x1be: {  	v14 =	vld [tilespmem:s13+$0x740]  }
0x1bf: {  	(v2sf) =	vpush v1, $0x6;
	v15 =	vld [tilespmem:s13+$0x750]  }
0x1c0: {  	v16 =	vld [tilespmem:s13+$0x760]  }
0x1c1: {  	v17 =	vld [tilespmem:s13+$0x770]  }
0x1c2: {  	v18 =	vld [tilespmem:s13+$0xB00]  }
0x1c3: {  	v19 =	vld [tilespmem:s13+$0xB10]  }
0x1c4: {  	v20 =	vld [tilespmem:s13+$0xB20]  }
0x1c5: {  	v21 =	vld [tilespmem:s13+$0xB30]  }
0x1c6: {  	v22 =	vld [tilespmem:s13+$0xB40]  }
0x1c7: {  	v23 =	vld [tilespmem:s13+$0xB50]  }
0x1c8: {  	v24 =	vld [tilespmem:s13+$0xB60]  }
0x1c9: {  	v25 =	vld [tilespmem:s13+$0xB70]  }
0x1ca: {  	v26 =	vld [tilespmem:s13+$0xF00]  }
0x1cb: {  	v27 =	vld [tilespmem:s13+$0xF10]  }
0x1cc: {  	v28 =	vld [tilespmem:s13+$0xF20]  }
0x1cd: {  	v29 =	vld [tilespmem:s13+$0xF30]  }
0x1ce: {  	v30 =	vld [tilespmem:s13+$0xF40];
	s29 =	spop (v2sf)  }
0x1cf: {  	v31 =	vld [tilespmem:s13+$0xF50];
	s30 =	sshll.u32 s29, $0x9;
	s14 =	sshll.u32 s29, $0x7  }
0x1d0: {  	v32 =	vld [tilespmem:s13+$0xF60];
	s31 =	sand.u32 $0xFFFFF800, s30;
	s14 =	sand.u32 $0x180, s14  }
0x1d1: {  	v33 =	vld [tilespmem:s13+$0xF70];
	s16 =	sor.u32 s14, s31  }
0x1d2: {  	[tilespmem:s16+$0x8080] =	vst.add.f32.msk $0xffff, v2  }
0x1d3: {  	[tilespmem:s16+$0x8090] =	vst.add.f32.msk $0xffff, v3  }
0x1d4: {  	[tilespmem:s16+$0x80A0] =	vst.add.f32.msk $0xffff, v4  }
0x1d5: {  	[tilespmem:s16+$0x80B0] =	vst.add.f32.msk $0xffff, v5  }
0x1d6: {  	[tilespmem:s16+$0x80C0] =	vst.add.f32.msk $0xffff, v6  }
0x1d7: {  	[tilespmem:s16+$0x80D0] =	vst.add.f32.msk $0xffff, v7  }
0x1d8: {  	[tilespmem:s16+$0x80E0] =	vst.add.f32.msk $0xffff, v8  }
0x1d9: {  	[tilespmem:s16+$0x80F0] =	vst.add.f32.msk $0xffff, v9  }
0x1da: {  	[tilespmem:s16+$0x8280] =	vst.add.f32.msk $0xffff, v10  }
0x1db: {  	[tilespmem:s16+$0x8290] =	vst.add.f32.msk $0xffff, v11  }
0x1dc: {  	[tilespmem:s16+$0x82A0] =	vst.add.f32.msk $0xffff, v12  }
0x1dd: {  	[tilespmem:s16+$0x82B0] =	vst.add.f32.msk $0xffff, v13  }
0x1de: {  	[tilespmem:s16+$0x82C0] =	vst.add.f32.msk $0xffff, v14  }
0x1df: {  	[tilespmem:s16+$0x82D0] =	vst.add.f32.msk $0xffff, v15  }
0x1e0: {  	[tilespmem:s16+$0x82E0] =	vst.add.f32.msk $0xffff, v16  }
0x1e1: {  	[tilespmem:s16+$0x82F0] =	vst.add.f32.msk $0xffff, v17  }
0x1e2: {  	[tilespmem:s16+$0x8480] =	vst.add.f32.msk $0xffff, v18  }
0x1e3: {  	[tilespmem:s16+$0x8490] =	vst.add.f32.msk $0xffff, v19  }
0x1e4: {  	[tilespmem:s16+$0x84A0] =	vst.add.f32.msk $0xffff, v20  }
0x1e5: {  	[tilespmem:s16+$0x84B0] =	vst.add.f32.msk $0xffff, v21  }
0x1e6: {  	[tilespmem:s16+$0x84C0] =	vst.add.f32.msk $0xffff, v22  }
0x1e7: {  	[tilespmem:s16+$0x84D0] =	vst.add.f32.msk $0xffff, v23  }
0x1e8: {  	s14 =	sor.u32 s30, s14;
	[tilespmem:s16+$0x84E0] =	vst.add.f32.msk $0xffff, v24  }
0x1e9: {  	[tilespmem:s16+$0x84F0] =	vst.add.f32.msk $0xffff, v25;
	s15 =	sor.u32 $0x600, s14  }
0x1ea: {  	s16 =	sor.u32 $0x610, s14;
	[tilespmem:s15+$0x8080] =	vst.add.f32.msk $0xffff, v26  }
0x1eb: {  	s17 =	sor.u32 $0x620, s14;
	[tilespmem:s16+$0x8080] =	vst.add.f32.msk $0xffff, v27  }
0x1ec: {  	s18 =	sor.u32 $0x630, s14;
	[tilespmem:s17+$0x8080] =	vst.add.f32.msk $0xffff, v28  }
0x1ed: {  	s19 =	sor.u32 $0x640, s14;
	[tilespmem:s18+$0x8080] =	vst.add.f32.msk $0xffff, v29  }
0x1ee: {  	s20 =	sor.u32 $0x650, s14;
	[tilespmem:s19+$0x8080] =	vst.add.f32.msk $0xffff, v30  }
0x1ef: {  	s21 =	sor.u32 $0x660, s14;
	[tilespmem:s20+$0x8080] =	vst.add.f32.msk $0xffff, v31  }
0x1f0: {  	s14 =	sor.u32 $0x670, s14;
	[tilespmem:s21+$0x8080] =	vst.add.f32.msk $0xffff, v32  }
0x1f1: {  	[tilespmem:s14+$0x8080] =	vst.add.f32.msk $0xffff, v33  }
0x1f2: {  	v2 =	vld [tilespmem:s13+$0x380]  }
0x1f3: {  	v3 =	vld [tilespmem:s13+$0x390]  }
0x1f4: {  	v4 =	vld [tilespmem:s13+$0x3A0]  }
0x1f5: {  	v5 =	vld [tilespmem:s13+$0x3B0]  }
0x1f6: {  	v6 =	vld [tilespmem:s13+$0x3C0]  }
0x1f7: {  	v7 =	vld [tilespmem:s13+$0x3D0]  }
0x1f8: {  	v8 =	vld [tilespmem:s13+$0x3E0]  }
0x1f9: {  	v9 =	vld [tilespmem:s13+$0x3F0]  }
0x1fa: {  	v10 =	vld [tilespmem:s13+$0x780]  }
0x1fb: {  	v11 =	vld [tilespmem:s13+$0x790]  }
0x1fc: {  	v12 =	vld [tilespmem:s13+$0x7A0]  }
0x1fd: {  	v13 =	vld [tilespmem:s13+$0x7B0]  }
0x1fe: {  	v14 =	vld [tilespmem:s13+$0x7C0]  }
0x1ff: {  	(v2sf) =	vpush v1, $0x7;
	v15 =	vld [tilespmem:s13+$0x7D0]  }
0x200: {  	v16 =	vld [tilespmem:s13+$0x7E0]  }
0x201: {  	v17 =	vld [tilespmem:s13+$0x7F0]  }
0x202: {  	v18 =	vld [tilespmem:s13+$0xB80]  }
0x203: {  	v19 =	vld [tilespmem:s13+$0xB90]  }
0x204: {  	v20 =	vld [tilespmem:s13+$0xBA0]  }
0x205: {  	v21 =	vld [tilespmem:s13+$0xBB0]  }
0x206: {  	v22 =	vld [tilespmem:s13+$0xBC0]  }
0x207: {  	v23 =	vld [tilespmem:s13+$0xBD0]  }
0x208: {  	v24 =	vld [tilespmem:s13+$0xBE0]  }
0x209: {  	v25 =	vld [tilespmem:s13+$0xBF0]  }
0x20a: {  	v26 =	vld [tilespmem:s13+$0xF80]  }
0x20b: {  	v27 =	vld [tilespmem:s13+$0xF90]  }
0x20c: {  	v28 =	vld [tilespmem:s13+$0xFA0]  }
0x20d: {  	v29 =	vld [tilespmem:s13+$0xFB0]  }
0x20e: {  	v30 =	vld [tilespmem:s13+$0xFC0];
	s22 =	spop (v2sf)  }
0x20f: {  	v31 =	vld [tilespmem:s13+$0xFD0];
	s23 =	sshll.u32 s22, $0x9;
	s14 =	sshll.u32 s22, $0x7  }
0x210: {  	v32 =	vld [tilespmem:s13+$0xFE0];
	s24 =	sand.u32 $0xFFFFF800, s23;
	s14 =	sand.u32 $0x180, s14  }
0x211: {  	v33 =	vld [tilespmem:s13+$0xFF0];
	s16 =	sor.u32 s14, s24  }
0x212: {  	[tilespmem:s16+$0x8080] =	vst.add.f32.msk $0xffff, v2  }
0x213: {  	[tilespmem:s16+$0x8090] =	vst.add.f32.msk $0xffff, v3  }
0x214: {  	[tilespmem:s16+$0x80A0] =	vst.add.f32.msk $0xffff, v4  }
0x215: {  	[tilespmem:s16+$0x80B0] =	vst.add.f32.msk $0xffff, v5  }
0x216: {  	[tilespmem:s16+$0x80C0] =	vst.add.f32.msk $0xffff, v6  }
0x217: {  	[tilespmem:s16+$0x80D0] =	vst.add.f32.msk $0xffff, v7  }
0x218: {  	[tilespmem:s16+$0x80E0] =	vst.add.f32.msk $0xffff, v8  }
0x219: {  	[tilespmem:s16+$0x80F0] =	vst.add.f32.msk $0xffff, v9  }
0x21a: {  	[tilespmem:s16+$0x8280] =	vst.add.f32.msk $0xffff, v10  }
0x21b: {  	[tilespmem:s16+$0x8290] =	vst.add.f32.msk $0xffff, v11  }
0x21c: {  	[tilespmem:s16+$0x82A0] =	vst.add.f32.msk $0xffff, v12  }
0x21d: {  	[tilespmem:s16+$0x82B0] =	vst.add.f32.msk $0xffff, v13  }
0x21e: {  	[tilespmem:s16+$0x82C0] =	vst.add.f32.msk $0xffff, v14  }
0x21f: {  	[tilespmem:s16+$0x82D0] =	vst.add.f32.msk $0xffff, v15  }
0x220: {  	[tilespmem:s16+$0x82E0] =	vst.add.f32.msk $0xffff, v16  }
0x221: {  	[tilespmem:s16+$0x82F0] =	vst.add.f32.msk $0xffff, v17  }
0x222: {  	[tilespmem:s16+$0x8480] =	vst.add.f32.msk $0xffff, v18  }
0x223: {  	[tilespmem:s16+$0x8490] =	vst.add.f32.msk $0xffff, v19  }
0x224: {  	[tilespmem:s16+$0x84A0] =	vst.add.f32.msk $0xffff, v20  }
0x225: {  	[tilespmem:s16+$0x84B0] =	vst.add.f32.msk $0xffff, v21  }
0x226: {  	[tilespmem:s16+$0x84C0] =	vst.add.f32.msk $0xffff, v22  }
0x227: {  	[tilespmem:s16+$0x84D0] =	vst.add.f32.msk $0xffff, v23  }
0x228: {  	s14 =	sor.u32 s23, s14;
	[tilespmem:s16+$0x84E0] =	vst.add.f32.msk $0xffff, v24  }
0x229: {  	[tilespmem:s16+$0x84F0] =	vst.add.f32.msk $0xffff, v25;
	s15 =	sor.u32 $0x600, s14  }
0x22a: {  	s25 =	sor.u32 $0x610, s14;
	[tilespmem:s15+$0x8080] =	vst.add.f32.msk $0xffff, v26  }
0x22b: {  	s26 =	sor.u32 $0x620, s14;
	[tilespmem:s25+$0x8080] =	vst.add.f32.msk $0xffff, v27  }
0x22c: {  	s28 =	sor.u32 $0x630, s14;
	[tilespmem:s26+$0x8080] =	vst.add.f32.msk $0xffff, v28  }
0x22d: {  	s29 =	sor.u32 $0x640, s14;
	[tilespmem:s28+$0x8080] =	vst.add.f32.msk $0xffff, v29  }
0x22e: {  	s30 =	sor.u32 $0x650, s14;
	[tilespmem:s29+$0x8080] =	vst.add.f32.msk $0xffff, v30  }
0x22f: {  	s31 =	sor.u32 $0x660, s14;
	[tilespmem:s30+$0x8080] =	vst.add.f32.msk $0xffff, v31  }
0x230: {  	s14 =	sor.u32 $0x670, s14;
	[tilespmem:s31+$0x8080] =	vst.add.f32.msk $0xffff, v32  }
0x231: {  	[tilespmem:s14+$0x8080] =	vst.add.f32.msk $0xffff, v33  }
0x232: {  	v2 =	vld [tilespmem:s13+$0x1000]  }
0x233: {  	v3 =	vld [tilespmem:s13+$0x1010]  }
0x234: {  	v4 =	vld [tilespmem:s13+$0x1020]  }
0x235: {  	v5 =	vld [tilespmem:s13+$0x1030]  }
0x236: {  	v6 =	vld [tilespmem:s13+$0x1040]  }
0x237: {  	v7 =	vld [tilespmem:s13+$0x1050]  }
0x238: {  	v8 =	vld [tilespmem:s13+$0x1060]  }
0x239: {  	v9 =	vld [tilespmem:s13+$0x1070]  }
0x23a: {  	v10 =	vld [tilespmem:s13+$0x1400]  }
0x23b: {  	v11 =	vld [tilespmem:s13+$0x1410]  }
0x23c: {  	(v2sf) =	vpush v1, $0x8;
	v12 =	vld [tilespmem:s13+$0x1420]  }
0x23d: {  	v13 =	vld [tilespmem:s13+$0x1430]  }
0x23e: {  	v14 =	vld [tilespmem:s13+$0x1440]  }
0x23f: {  	v15 =	vld [tilespmem:s13+$0x1450]  }
0x240: {  	v16 =	vld [tilespmem:s13+$0x1460]  }
0x241: {  	v17 =	vld [tilespmem:s13+$0x1470]  }
0x242: {  	v18 =	vld [tilespmem:s13+$0x1800]  }
0x243: {  	v19 =	vld [tilespmem:s13+$0x1810]  }
0x244: {  	v20 =	vld [tilespmem:s13+$0x1820]  }
0x245: {  	v21 =	vld [tilespmem:s13+$0x1830]  }
0x246: {  	v22 =	vld [tilespmem:s13+$0x1840]  }
0x247: {  	v23 =	vld [tilespmem:s13+$0x1850]  }
0x248: {  	v24 =	vld [tilespmem:s13+$0x1860]  }
0x249: {  	v25 =	vld [tilespmem:s13+$0x1870]  }
0x24a: {  	v26 =	vld [tilespmem:s13+$0x1C00]  }
0x24b: {  	v27 =	vld [tilespmem:s13+$0x1C10];
	s16 =	spop (v2sf)  }
0x24c: {  	v28 =	vld [tilespmem:s13+$0x1C20]  }
0x24d: {  	v59 =	vld [tilespmem:s13+$0x1C30]  }
0x24e: {  	v60 =	vld [tilespmem:s13+$0x1C40]  }
0x24f: {  	v61 =	vld [tilespmem:s13+$0x1C50];
	s17 =	sshll.u32 s16, $0x9;
	s14 =	sshll.u32 s16, $0x7  }
0x250: {  	v62 =	vld [tilespmem:s13+$0x1C60];
	s18 =	sand.u32 $0xFFFFF800, s17;
	s14 =	sand.u32 $0x180, s14  }
0x251: {  	v63 =	vld [tilespmem:s13+$0x1C70];
	s16 =	sor.u32 s14, s18  }
0x252: {  	[tilespmem:s16+$0x8080] =	vst.add.f32.msk $0xffff, v2  }
0x253: {  	[tilespmem:s16+$0x8090] =	vst.add.f32.msk $0xffff, v3  }
0x254: {  	[tilespmem:s16+$0x80A0] =	vst.add.f32.msk $0xffff, v4  }
0x255: {  	[tilespmem:s16+$0x80B0] =	vst.add.f32.msk $0xffff, v5  }
0x256: {  	[tilespmem:s16+$0x80C0] =	vst.add.f32.msk $0xffff, v6  }
0x257: {  	[tilespmem:s16+$0x80D0] =	vst.add.f32.msk $0xffff, v7  }
0x258: {  	[tilespmem:s16+$0x80E0] =	vst.add.f32.msk $0xffff, v8  }
0x259: {  	[tilespmem:s16+$0x80F0] =	vst.add.f32.msk $0xffff, v9  }
0x25a: {  	[tilespmem:s16+$0x8280] =	vst.add.f32.msk $0xffff, v10  }
0x25b: {  	[tilespmem:s16+$0x8290] =	vst.add.f32.msk $0xffff, v11  }
0x25c: {  	[tilespmem:s16+$0x82A0] =	vst.add.f32.msk $0xffff, v12  }
0x25d: {  	[tilespmem:s16+$0x82B0] =	vst.add.f32.msk $0xffff, v13  }
0x25e: {  	[tilespmem:s16+$0x82C0] =	vst.add.f32.msk $0xffff, v14  }
0x25f: {  	[tilespmem:s16+$0x82D0] =	vst.add.f32.msk $0xffff, v15  }
0x260: {  	[tilespmem:s16+$0x82E0] =	vst.add.f32.msk $0xffff, v16  }
0x261: {  	[tilespmem:s16+$0x82F0] =	vst.add.f32.msk $0xffff, v17  }
0x262: {  	[tilespmem:s16+$0x8480] =	vst.add.f32.msk $0xffff, v18  }
0x263: {  	[tilespmem:s16+$0x8490] =	vst.add.f32.msk $0xffff, v19  }
0x264: {  	[tilespmem:s16+$0x84A0] =	vst.add.f32.msk $0xffff, v20  }
0x265: {  	[tilespmem:s16+$0x84B0] =	vst.add.f32.msk $0xffff, v21  }
0x266: {  	[tilespmem:s16+$0x84C0] =	vst.add.f32.msk $0xffff, v22  }
0x267: {  	[tilespmem:s16+$0x84D0] =	vst.add.f32.msk $0xffff, v23  }
0x268: {  	s14 =	sor.u32 s17, s14;
	[tilespmem:s16+$0x84E0] =	vst.add.f32.msk $0xffff, v24  }
0x269: {  	[tilespmem:s16+$0x84F0] =	vst.add.f32.msk $0xffff, v25;
	s15 =	sor.u32 $0x600, s14  }
0x26a: {  	s19 =	sor.u32 $0x610, s14;
	[tilespmem:s15+$0x8080] =	vst.add.f32.msk $0xffff, v26  }
0x26b: {  	s20 =	sor.u32 $0x620, s14;
	[tilespmem:s19+$0x8080] =	vst.add.f32.msk $0xffff, v27  }
0x26c: {  	s21 =	sor.u32 $0x630, s14;
	[tilespmem:s20+$0x8080] =	vst.add.f32.msk $0xffff, v28  }
0x26d: {  	s22 =	sor.u32 $0x640, s14;
	[tilespmem:s21+$0x8080] =	vst.add.f32.msk $0xffff, v59  }
0x26e: {  	s23 =	sor.u32 $0x650, s14;
	[tilespmem:s22+$0x8080] =	vst.add.f32.msk $0xffff, v60  }
0x26f: {  	s24 =	sor.u32 $0x660, s14;
	[tilespmem:s23+$0x8080] =	vst.add.f32.msk $0xffff, v61  }
0x270: {  	s14 =	sor.u32 $0x670, s14;
	[tilespmem:s24+$0x8080] =	vst.add.f32.msk $0xffff, v62  }
0x271: {  	[tilespmem:s14+$0x8080] =	vst.add.f32.msk $0xffff, v63  }
0x272: {  	v2 =	vld [tilespmem:s13+$0x1080]  }
0x273: {  	v3 =	vld [tilespmem:s13+$0x1090]  }
0x274: {  	v4 =	vld [tilespmem:s13+$0x10A0]  }
0x275: {  	v5 =	vld [tilespmem:s13+$0x10B0]  }
0x276: {  	v6 =	vld [tilespmem:s13+$0x10C0]  }
0x277: {  	v7 =	vld [tilespmem:s13+$0x10D0]  }
0x278: {  	v8 =	vld [tilespmem:s13+$0x10E0]  }
0x279: {  	v9 =	vld [tilespmem:s13+$0x10F0]  }
0x27a: {  	v10 =	vld [tilespmem:s13+$0x1480]  }
0x27b: {  	v11 =	vld [tilespmem:s13+$0x1490]  }
0x27c: {  	v12 =	vld [tilespmem:s13+$0x14A0]  }
0x27d: {  	v13 =	vld [tilespmem:s13+$0x14B0]  }
0x27e: {  	v14 =	vld [tilespmem:s13+$0x14C0]  }
0x27f: {  	(v2sf) =	vpush v1, $0x9;
	v15 =	vld [tilespmem:s13+$0x14D0]  }
0x280: {  	v16 =	vld [tilespmem:s13+$0x14E0]  }
0x281: {  	v17 =	vld [tilespmem:s13+$0x14F0]  }
0x282: {  	v18 =	vld [tilespmem:s13+$0x1880]  }
0x283: {  	v19 =	vld [tilespmem:s13+$0x1890]  }
0x284: {  	v20 =	vld [tilespmem:s13+$0x18A0]  }
0x285: {  	v21 =	vld [tilespmem:s13+$0x18B0]  }
0x286: {  	v22 =	vld [tilespmem:s13+$0x18C0]  }
0x287: {  	v23 =	vld [tilespmem:s13+$0x18D0]  }
0x288: {  	v24 =	vld [tilespmem:s13+$0x18E0]  }
0x289: {  	v25 =	vld [tilespmem:s13+$0x18F0]  }
0x28a: {  	v26 =	vld [tilespmem:s13+$0x1C80]  }
0x28b: {  	v27 =	vld [tilespmem:s13+$0x1C90]  }
0x28c: {  	v28 =	vld [tilespmem:s13+$0x1CA0]  }
0x28d: {  	v29 =	vld [tilespmem:s13+$0x1CB0]  }
0x28e: {  	v30 =	vld [tilespmem:s13+$0x1CC0];
	s25 =	spop (v2sf)  }
0x28f: {  	v31 =	vld [tilespmem:s13+$0x1CD0];
	s26 =	sshll.u32 s25, $0x9;
	s14 =	sshll.u32 s25, $0x7  }
0x290: {  	v32 =	vld [tilespmem:s13+$0x1CE0];
	s28 =	sand.u32 $0xFFFFF800, s26;
	s14 =	sand.u32 $0x180, s14  }
0x291: {  	v33 =	vld [tilespmem:s13+$0x1CF0];
	s16 =	sor.u32 s14, s28  }
0x292: {  	[tilespmem:s16+$0x8080] =	vst.add.f32.msk $0xffff, v2  }
0x293: {  	[tilespmem:s16+$0x8090] =	vst.add.f32.msk $0xffff, v3  }
0x294: {  	[tilespmem:s16+$0x80A0] =	vst.add.f32.msk $0xffff, v4  }
0x295: {  	[tilespmem:s16+$0x80B0] =	vst.add.f32.msk $0xffff, v5  }
0x296: {  	[tilespmem:s16+$0x80C0] =	vst.add.f32.msk $0xffff, v6  }
0x297: {  	[tilespmem:s16+$0x80D0] =	vst.add.f32.msk $0xffff, v7  }
0x298: {  	[tilespmem:s16+$0x80E0] =	vst.add.f32.msk $0xffff, v8  }
0x299: {  	[tilespmem:s16+$0x80F0] =	vst.add.f32.msk $0xffff, v9  }
0x29a: {  	[tilespmem:s16+$0x8280] =	vst.add.f32.msk $0xffff, v10  }
0x29b: {  	[tilespmem:s16+$0x8290] =	vst.add.f32.msk $0xffff, v11  }
0x29c: {  	[tilespmem:s16+$0x82A0] =	vst.add.f32.msk $0xffff, v12  }
0x29d: {  	[tilespmem:s16+$0x82B0] =	vst.add.f32.msk $0xffff, v13  }
0x29e: {  	[tilespmem:s16+$0x82C0] =	vst.add.f32.msk $0xffff, v14  }
0x29f: {  	[tilespmem:s16+$0x82D0] =	vst.add.f32.msk $0xffff, v15  }
0x2a0: {  	[tilespmem:s16+$0x82E0] =	vst.add.f32.msk $0xffff, v16  }
0x2a1: {  	[tilespmem:s16+$0x82F0] =	vst.add.f32.msk $0xffff, v17  }
0x2a2: {  	[tilespmem:s16+$0x8480] =	vst.add.f32.msk $0xffff, v18  }
0x2a3: {  	[tilespmem:s16+$0x8490] =	vst.add.f32.msk $0xffff, v19  }
0x2a4: {  	[tilespmem:s16+$0x84A0] =	vst.add.f32.msk $0xffff, v20  }
0x2a5: {  	[tilespmem:s16+$0x84B0] =	vst.add.f32.msk $0xffff, v21  }
0x2a6: {  	[tilespmem:s16+$0x84C0] =	vst.add.f32.msk $0xffff, v22  }
0x2a7: {  	[tilespmem:s16+$0x84D0] =	vst.add.f32.msk $0xffff, v23  }
0x2a8: {  	s14 =	sor.u32 s26, s14;
	[tilespmem:s16+$0x84E0] =	vst.add.f32.msk $0xffff, v24  }
0x2a9: {  	[tilespmem:s16+$0x84F0] =	vst.add.f32.msk $0xffff, v25;
	s15 =	sor.u32 $0x600, s14  }
0x2aa: {  	s29 =	sor.u32 $0x610, s14;
	[tilespmem:s15+$0x8080] =	vst.add.f32.msk $0xffff, v26  }
0x2ab: {  	s30 =	sor.u32 $0x620, s14;
	[tilespmem:s29+$0x8080] =	vst.add.f32.msk $0xffff, v27  }
0x2ac: {  	s31 =	sor.u32 $0x630, s14;
	[tilespmem:s30+$0x8080] =	vst.add.f32.msk $0xffff, v28  }
0x2ad: {  	s16 =	sor.u32 $0x640, s14;
	[tilespmem:s31+$0x8080] =	vst.add.f32.msk $0xffff, v29  }
0x2ae: {  	s17 =	sor.u32 $0x650, s14;
	[tilespmem:s16+$0x8080] =	vst.add.f32.msk $0xffff, v30  }
0x2af: {  	s18 =	sor.u32 $0x660, s14;
	[tilespmem:s17+$0x8080] =	vst.add.f32.msk $0xffff, v31  }
0x2b0: {  	s14 =	sor.u32 $0x670, s14;
	[tilespmem:s18+$0x8080] =	vst.add.f32.msk $0xffff, v32  }
0x2b1: {  	[tilespmem:s14+$0x8080] =	vst.add.f32.msk $0xffff, v33  }
0x2b2: {  	v2 =	vld [tilespmem:s13+$0x1100]  }
0x2b3: {  	v3 =	vld [tilespmem:s13+$0x1110]  }
0x2b4: {  	v4 =	vld [tilespmem:s13+$0x1120]  }
0x2b5: {  	v5 =	vld [tilespmem:s13+$0x1130]  }
0x2b6: {  	v6 =	vld [tilespmem:s13+$0x1140]  }
0x2b7: {  	v7 =	vld [tilespmem:s13+$0x1150]  }
0x2b8: {  	v8 =	vld [tilespmem:s13+$0x1160]  }
0x2b9: {  	v9 =	vld [tilespmem:s13+$0x1170]  }
0x2ba: {  	v10 =	vld [tilespmem:s13+$0x1500]  }
0x2bb: {  	v11 =	vld [tilespmem:s13+$0x1510]  }
0x2bc: {  	v12 =	vld [tilespmem:s13+$0x1520]  }
0x2bd: {  	v13 =	vld [tilespmem:s13+$0x1530]  }
0x2be: {  	v14 =	vld [tilespmem:s13+$0x1540]  }
0x2bf: {  	(v2sf) =	vpush v1, $0xA;
	v15 =	vld [tilespmem:s13+$0x1550]  }
0x2c0: {  	v16 =	vld [tilespmem:s13+$0x1560]  }
0x2c1: {  	v17 =	vld [tilespmem:s13+$0x1570]  }
0x2c2: {  	v18 =	vld [tilespmem:s13+$0x1900]  }
0x2c3: {  	v19 =	vld [tilespmem:s13+$0x1910]  }
0x2c4: {  	v20 =	vld [tilespmem:s13+$0x1920]  }
0x2c5: {  	v21 =	vld [tilespmem:s13+$0x1930]  }
0x2c6: {  	v22 =	vld [tilespmem:s13+$0x1940]  }
0x2c7: {  	v23 =	vld [tilespmem:s13+$0x1950]  }
0x2c8: {  	v24 =	vld [tilespmem:s13+$0x1960]  }
0x2c9: {  	v25 =	vld [tilespmem:s13+$0x1970]  }
0x2ca: {  	v26 =	vld [tilespmem:s13+$0x1D00]  }
0x2cb: {  	v27 =	vld [tilespmem:s13+$0x1D10]  }
0x2cc: {  	v28 =	vld [tilespmem:s13+$0x1D20]  }
0x2cd: {  	v29 =	vld [tilespmem:s13+$0x1D30]  }
0x2ce: {  	v30 =	vld [tilespmem:s13+$0x1D40];
	s19 =	spop (v2sf)  }
0x2cf: {  	v31 =	vld [tilespmem:s13+$0x1D50];
	s20 =	sshll.u32 s19, $0x9;
	s14 =	sshll.u32 s19, $0x7  }
0x2d0: {  	v32 =	vld [tilespmem:s13+$0x1D60];
	s21 =	sand.u32 $0xFFFFF800, s20;
	s14 =	sand.u32 $0x180, s14  }
0x2d1: {  	v33 =	vld [tilespmem:s13+$0x1D70];
	s16 =	sor.u32 s14, s21  }
0x2d2: {  	[tilespmem:s16+$0x8080] =	vst.add.f32.msk $0xffff, v2  }
0x2d3: {  	[tilespmem:s16+$0x8090] =	vst.add.f32.msk $0xffff, v3  }
0x2d4: {  	[tilespmem:s16+$0x80A0] =	vst.add.f32.msk $0xffff, v4  }
0x2d5: {  	[tilespmem:s16+$0x80B0] =	vst.add.f32.msk $0xffff, v5  }
0x2d6: {  	[tilespmem:s16+$0x80C0] =	vst.add.f32.msk $0xffff, v6  }
0x2d7: {  	[tilespmem:s16+$0x80D0] =	vst.add.f32.msk $0xffff, v7  }
0x2d8: {  	[tilespmem:s16+$0x80E0] =	vst.add.f32.msk $0xffff, v8  }
0x2d9: {  	[tilespmem:s16+$0x80F0] =	vst.add.f32.msk $0xffff, v9  }
0x2da: {  	[tilespmem:s16+$0x8280] =	vst.add.f32.msk $0xffff, v10  }
0x2db: {  	[tilespmem:s16+$0x8290] =	vst.add.f32.msk $0xffff, v11  }
0x2dc: {  	[tilespmem:s16+$0x82A0] =	vst.add.f32.msk $0xffff, v12  }
0x2dd: {  	[tilespmem:s16+$0x82B0] =	vst.add.f32.msk $0xffff, v13  }
0x2de: {  	[tilespmem:s16+$0x82C0] =	vst.add.f32.msk $0xffff, v14  }
0x2df: {  	[tilespmem:s16+$0x82D0] =	vst.add.f32.msk $0xffff, v15  }
0x2e0: {  	[tilespmem:s16+$0x82E0] =	vst.add.f32.msk $0xffff, v16  }
0x2e1: {  	[tilespmem:s16+$0x82F0] =	vst.add.f32.msk $0xffff, v17  }
0x2e2: {  	[tilespmem:s16+$0x8480] =	vst.add.f32.msk $0xffff, v18  }
0x2e3: {  	[tilespmem:s16+$0x8490] =	vst.add.f32.msk $0xffff, v19  }
0x2e4: {  	[tilespmem:s16+$0x84A0] =	vst.add.f32.msk $0xffff, v20  }
0x2e5: {  	[tilespmem:s16+$0x84B0] =	vst.add.f32.msk $0xffff, v21  }
0x2e6: {  	[tilespmem:s16+$0x84C0] =	vst.add.f32.msk $0xffff, v22  }
0x2e7: {  	[tilespmem:s16+$0x84D0] =	vst.add.f32.msk $0xffff, v23  }
0x2e8: {  	s14 =	sor.u32 s20, s14;
	[tilespmem:s16+$0x84E0] =	vst.add.f32.msk $0xffff, v24  }
0x2e9: {  	[tilespmem:s16+$0x84F0] =	vst.add.f32.msk $0xffff, v25;
	s15 =	sor.u32 $0x600, s14  }
0x2ea: {  	s22 =	sor.u32 $0x610, s14;
	[tilespmem:s15+$0x8080] =	vst.add.f32.msk $0xffff, v26  }
0x2eb: {  	s23 =	sor.u32 $0x620, s14;
	[tilespmem:s22+$0x8080] =	vst.add.f32.msk $0xffff, v27  }
0x2ec: {  	s24 =	sor.u32 $0x630, s14;
	[tilespmem:s23+$0x8080] =	vst.add.f32.msk $0xffff, v28  }
0x2ed: {  	s25 =	sor.u32 $0x640, s14;
	[tilespmem:s24+$0x8080] =	vst.add.f32.msk $0xffff, v29  }
0x2ee: {  	s26 =	sor.u32 $0x650, s14;
	[tilespmem:s25+$0x8080] =	vst.add.f32.msk $0xffff, v30  }
0x2ef: {  	s28 =	sor.u32 $0x660, s14;
	[tilespmem:s26+$0x8080] =	vst.add.f32.msk $0xffff, v31  }
0x2f0: {  	s14 =	sor.u32 $0x670, s14;
	[tilespmem:s28+$0x8080] =	vst.add.f32.msk $0xffff, v32  }
0x2f1: {  	[tilespmem:s14+$0x8080] =	vst.add.f32.msk $0xffff, v33  }
0x2f2: {  	v2 =	vld [tilespmem:s13+$0x1180]  }
0x2f3: {  	v3 =	vld [tilespmem:s13+$0x1190]  }
0x2f4: {  	v4 =	vld [tilespmem:s13+$0x11A0]  }
0x2f5: {  	v5 =	vld [tilespmem:s13+$0x11B0]  }
0x2f6: {  	v6 =	vld [tilespmem:s13+$0x11C0]  }
0x2f7: {  	v7 =	vld [tilespmem:s13+$0x11D0]  }
0x2f8: {  	v8 =	vld [tilespmem:s13+$0x11E0]  }
0x2f9: {  	v9 =	vld [tilespmem:s13+$0x11F0]  }
0x2fa: {  	v10 =	vld [tilespmem:s13+$0x1580]  }
0x2fb: {  	v11 =	vld [tilespmem:s13+$0x1590]  }
0x2fc: {  	v12 =	vld [tilespmem:s13+$0x15A0]  }
0x2fd: {  	v13 =	vld [tilespmem:s13+$0x15B0]  }
0x2fe: {  	v14 =	vld [tilespmem:s13+$0x15C0]  }
0x2ff: {  	(v2sf) =	vpush v1, $0xB;
	v15 =	vld [tilespmem:s13+$0x15D0]  }
0x300: {  	v16 =	vld [tilespmem:s13+$0x15E0]  }
0x301: {  	v17 =	vld [tilespmem:s13+$0x15F0]  }
0x302: {  	v18 =	vld [tilespmem:s13+$0x1980]  }
0x303: {  	v19 =	vld [tilespmem:s13+$0x1990]  }
0x304: {  	v20 =	vld [tilespmem:s13+$0x19A0]  }
0x305: {  	v21 =	vld [tilespmem:s13+$0x19B0]  }
0x306: {  	v22 =	vld [tilespmem:s13+$0x19C0]  }
0x307: {  	v23 =	vld [tilespmem:s13+$0x19D0]  }
0x308: {  	v24 =	vld [tilespmem:s13+$0x19E0]  }
0x309: {  	v25 =	vld [tilespmem:s13+$0x19F0]  }
0x30a: {  	v26 =	vld [tilespmem:s13+$0x1D80]  }
0x30b: {  	v27 =	vld [tilespmem:s13+$0x1D90]  }
0x30c: {  	v28 =	vld [tilespmem:s13+$0x1DA0]  }
0x30d: {  	v29 =	vld [tilespmem:s13+$0x1DB0]  }
0x30e: {  	v30 =	vld [tilespmem:s13+$0x1DC0];
	s29 =	spop (v2sf)  }
0x30f: {  	v31 =	vld [tilespmem:s13+$0x1DD0];
	s30 =	sshll.u32 s29, $0x9;
	s14 =	sshll.u32 s29, $0x7  }
0x310: {  	v32 =	vld [tilespmem:s13+$0x1DE0];
	s31 =	sand.u32 $0xFFFFF800, s30;
	s14 =	sand.u32 $0x180, s14  }
0x311: {  	v33 =	vld [tilespmem:s13+$0x1DF0];
	s16 =	sor.u32 s14, s31  }
0x312: {  	[tilespmem:s16+$0x8080] =	vst.add.f32.msk $0xffff, v2  }
0x313: {  	[tilespmem:s16+$0x8090] =	vst.add.f32.msk $0xffff, v3  }
0x314: {  	[tilespmem:s16+$0x80A0] =	vst.add.f32.msk $0xffff, v4  }
0x315: {  	[tilespmem:s16+$0x80B0] =	vst.add.f32.msk $0xffff, v5  }
0x316: {  	[tilespmem:s16+$0x80C0] =	vst.add.f32.msk $0xffff, v6  }
0x317: {  	[tilespmem:s16+$0x80D0] =	vst.add.f32.msk $0xffff, v7  }
0x318: {  	[tilespmem:s16+$0x80E0] =	vst.add.f32.msk $0xffff, v8  }
0x319: {  	[tilespmem:s16+$0x80F0] =	vst.add.f32.msk $0xffff, v9  }
0x31a: {  	[tilespmem:s16+$0x8280] =	vst.add.f32.msk $0xffff, v10  }
0x31b: {  	[tilespmem:s16+$0x8290] =	vst.add.f32.msk $0xffff, v11  }
0x31c: {  	[tilespmem:s16+$0x82A0] =	vst.add.f32.msk $0xffff, v12  }
0x31d: {  	[tilespmem:s16+$0x82B0] =	vst.add.f32.msk $0xffff, v13  }
0x31e: {  	[tilespmem:s16+$0x82C0] =	vst.add.f32.msk $0xffff, v14  }
0x31f: {  	[tilespmem:s16+$0x82D0] =	vst.add.f32.msk $0xffff, v15  }
0x320: {  	[tilespmem:s16+$0x82E0] =	vst.add.f32.msk $0xffff, v16  }
0x321: {  	[tilespmem:s16+$0x82F0] =	vst.add.f32.msk $0xffff, v17  }
0x322: {  	[tilespmem:s16+$0x8480] =	vst.add.f32.msk $0xffff, v18  }
0x323: {  	[tilespmem:s16+$0x8490] =	vst.add.f32.msk $0xffff, v19  }
0x324: {  	[tilespmem:s16+$0x84A0] =	vst.add.f32.msk $0xffff, v20  }
0x325: {  	[tilespmem:s16+$0x84B0] =	vst.add.f32.msk $0xffff, v21  }
0x326: {  	[tilespmem:s16+$0x84C0] =	vst.add.f32.msk $0xffff, v22  }
0x327: {  	[tilespmem:s16+$0x84D0] =	vst.add.f32.msk $0xffff, v23  }
0x328: {  	s14 =	sor.u32 s30, s14;
	[tilespmem:s16+$0x84E0] =	vst.add.f32.msk $0xffff, v24  }
0x329: {  	[tilespmem:s16+$0x84F0] =	vst.add.f32.msk $0xffff, v25;
	s15 =	sor.u32 $0x600, s14  }
0x32a: {  	s16 =	sor.u32 $0x610, s14;
	[tilespmem:s15+$0x8080] =	vst.add.f32.msk $0xffff, v26  }
0x32b: {  	s17 =	sor.u32 $0x620, s14;
	[tilespmem:s16+$0x8080] =	vst.add.f32.msk $0xffff, v27  }
0x32c: {  	s18 =	sor.u32 $0x630, s14;
	[tilespmem:s17+$0x8080] =	vst.add.f32.msk $0xffff, v28  }
0x32d: {  	s19 =	sor.u32 $0x640, s14;
	[tilespmem:s18+$0x8080] =	vst.add.f32.msk $0xffff, v29  }
0x32e: {  	s20 =	sor.u32 $0x650, s14;
	[tilespmem:s19+$0x8080] =	vst.add.f32.msk $0xffff, v30  }
0x32f: {  	s21 =	sor.u32 $0x660, s14;
	[tilespmem:s20+$0x8080] =	vst.add.f32.msk $0xffff, v31  }
0x330: {  	s14 =	sor.u32 $0x670, s14;
	[tilespmem:s21+$0x8080] =	vst.add.f32.msk $0xffff, v32  }
0x331: {  	[tilespmem:s14+$0x8080] =	vst.add.f32.msk $0xffff, v33  }
0x332: {  	v2 =	vld [tilespmem:s13+$0x1200]  }
0x333: {  	v3 =	vld [tilespmem:s13+$0x1210]  }
0x334: {  	v4 =	vld [tilespmem:s13+$0x1220]  }
0x335: {  	v5 =	vld [tilespmem:s13+$0x1230]  }
0x336: {  	v6 =	vld [tilespmem:s13+$0x1240]  }
0x337: {  	v7 =	vld [tilespmem:s13+$0x1250]  }
0x338: {  	v8 =	vld [tilespmem:s13+$0x1260]  }
0x339: {  	v9 =	vld [tilespmem:s13+$0x1270]  }
0x33a: {  	v10 =	vld [tilespmem:s13+$0x1600]  }
0x33b: {  	v11 =	vld [tilespmem:s13+$0x1610]  }
0x33c: {  	v12 =	vld [tilespmem:s13+$0x1620]  }
0x33d: {  	v13 =	vld [tilespmem:s13+$0x1630]  }
0x33e: {  	v14 =	vld [tilespmem:s13+$0x1640]  }
0x33f: {  	(v2sf) =	vpush v1, $0xC;
	v15 =	vld [tilespmem:s13+$0x1650]  }
0x340: {  	v16 =	vld [tilespmem:s13+$0x1660]  }
0x341: {  	v17 =	vld [tilespmem:s13+$0x1670]  }
0x342: {  	v18 =	vld [tilespmem:s13+$0x1A00]  }
0x343: {  	v19 =	vld [tilespmem:s13+$0x1A10]  }
0x344: {  	v20 =	vld [tilespmem:s13+$0x1A20]  }
0x345: {  	v21 =	vld [tilespmem:s13+$0x1A30]  }
0x346: {  	v22 =	vld [tilespmem:s13+$0x1A40]  }
0x347: {  	v23 =	vld [tilespmem:s13+$0x1A50]  }
0x348: {  	v24 =	vld [tilespmem:s13+$0x1A60]  }
0x349: {  	v25 =	vld [tilespmem:s13+$0x1A70]  }
0x34a: {  	v26 =	vld [tilespmem:s13+$0x1E00]  }
0x34b: {  	v27 =	vld [tilespmem:s13+$0x1E10]  }
0x34c: {  	v28 =	vld [tilespmem:s13+$0x1E20]  }
0x34d: {  	v29 =	vld [tilespmem:s13+$0x1E30]  }
0x34e: {  	v30 =	vld [tilespmem:s13+$0x1E40];
	s22 =	spop (v2sf)  }
0x34f: {  	v31 =	vld [tilespmem:s13+$0x1E50];
	s23 =	sshll.u32 s22, $0x9;
	s14 =	sshll.u32 s22, $0x7  }
0x350: {  	v32 =	vld [tilespmem:s13+$0x1E60];
	s24 =	sand.u32 $0xFFFFF800, s23;
	s14 =	sand.u32 $0x180, s14  }
0x351: {  	v33 =	vld [tilespmem:s13+$0x1E70];
	s16 =	sor.u32 s14, s24  }
0x352: {  	[tilespmem:s16+$0x8080] =	vst.add.f32.msk $0xffff, v2  }
0x353: {  	[tilespmem:s16+$0x8090] =	vst.add.f32.msk $0xffff, v3  }
0x354: {  	[tilespmem:s16+$0x80A0] =	vst.add.f32.msk $0xffff, v4  }
0x355: {  	[tilespmem:s16+$0x80B0] =	vst.add.f32.msk $0xffff, v5  }
0x356: {  	[tilespmem:s16+$0x80C0] =	vst.add.f32.msk $0xffff, v6  }
0x357: {  	[tilespmem:s16+$0x80D0] =	vst.add.f32.msk $0xffff, v7  }
0x358: {  	[tilespmem:s16+$0x80E0] =	vst.add.f32.msk $0xffff, v8  }
0x359: {  	[tilespmem:s16+$0x80F0] =	vst.add.f32.msk $0xffff, v9  }
0x35a: {  	[tilespmem:s16+$0x8280] =	vst.add.f32.msk $0xffff, v10  }
0x35b: {  	[tilespmem:s16+$0x8290] =	vst.add.f32.msk $0xffff, v11  }
0x35c: {  	[tilespmem:s16+$0x82A0] =	vst.add.f32.msk $0xffff, v12  }
0x35d: {  	[tilespmem:s16+$0x82B0] =	vst.add.f32.msk $0xffff, v13  }
0x35e: {  	[tilespmem:s16+$0x82C0] =	vst.add.f32.msk $0xffff, v14  }
0x35f: {  	[tilespmem:s16+$0x82D0] =	vst.add.f32.msk $0xffff, v15  }
0x360: {  	[tilespmem:s16+$0x82E0] =	vst.add.f32.msk $0xffff, v16  }
0x361: {  	[tilespmem:s16+$0x82F0] =	vst.add.f32.msk $0xffff, v17  }
0x362: {  	[tilespmem:s16+$0x8480] =	vst.add.f32.msk $0xffff, v18  }
0x363: {  	[tilespmem:s16+$0x8490] =	vst.add.f32.msk $0xffff, v19  }
0x364: {  	[tilespmem:s16+$0x84A0] =	vst.add.f32.msk $0xffff, v20  }
0x365: {  	[tilespmem:s16+$0x84B0] =	vst.add.f32.msk $0xffff, v21  }
0x366: {  	[tilespmem:s16+$0x84C0] =	vst.add.f32.msk $0xffff, v22  }
0x367: {  	[tilespmem:s16+$0x84D0] =	vst.add.f32.msk $0xffff, v23  }
0x368: {  	s14 =	sor.u32 s23, s14;
	[tilespmem:s16+$0x84E0] =	vst.add.f32.msk $0xffff, v24  }
0x369: {  	[tilespmem:s16+$0x84F0] =	vst.add.f32.msk $0xffff, v25;
	s15 =	sor.u32 $0x600, s14  }
0x36a: {  	s25 =	sor.u32 $0x610, s14;
	[tilespmem:s15+$0x8080] =	vst.add.f32.msk $0xffff, v26  }
0x36b: {  	s26 =	sor.u32 $0x620, s14;
	[tilespmem:s25+$0x8080] =	vst.add.f32.msk $0xffff, v27  }
0x36c: {  	s28 =	sor.u32 $0x630, s14;
	[tilespmem:s26+$0x8080] =	vst.add.f32.msk $0xffff, v28  }
0x36d: {  	s29 =	sor.u32 $0x640, s14;
	[tilespmem:s28+$0x8080] =	vst.add.f32.msk $0xffff, v29  }
0x36e: {  	s30 =	sor.u32 $0x650, s14;
	[tilespmem:s29+$0x8080] =	vst.add.f32.msk $0xffff, v30  }
0x36f: {  	s31 =	sor.u32 $0x660, s14;
	[tilespmem:s30+$0x8080] =	vst.add.f32.msk $0xffff, v31  }
0x370: {  	s14 =	sor.u32 $0x670, s14;
	[tilespmem:s31+$0x8080] =	vst.add.f32.msk $0xffff, v32  }
0x371: {  	[tilespmem:s14+$0x8080] =	vst.add.f32.msk $0xffff, v33  }
0x372: {  	v2 =	vld [tilespmem:s13+$0x1280]  }
0x373: {  	v3 =	vld [tilespmem:s13+$0x1290]  }
0x374: {  	v4 =	vld [tilespmem:s13+$0x12A0]  }
0x375: {  	v5 =	vld [tilespmem:s13+$0x12B0]  }
0x376: {  	v6 =	vld [tilespmem:s13+$0x12C0]  }
0x377: {  	v7 =	vld [tilespmem:s13+$0x12D0]  }
0x378: {  	v8 =	vld [tilespmem:s13+$0x12E0]  }
0x379: {  	v9 =	vld [tilespmem:s13+$0x12F0]  }
0x37a: {  	v10 =	vld [tilespmem:s13+$0x1680]  }
0x37b: {  	v11 =	vld [tilespmem:s13+$0x1690]  }
0x37c: {  	v12 =	vld [tilespmem:s13+$0x16A0]  }
0x37d: {  	v13 =	vld [tilespmem:s13+$0x16B0]  }
0x37e: {  	v14 =	vld [tilespmem:s13+$0x16C0]  }
0x37f: {  	(v2sf) =	vpush v1, $0xD;
	v15 =	vld [tilespmem:s13+$0x16D0]  }
0x380: {  	v16 =	vld [tilespmem:s13+$0x16E0]  }
0x381: {  	v17 =	vld [tilespmem:s13+$0x16F0]  }
0x382: {  	v18 =	vld [tilespmem:s13+$0x1A80]  }
0x383: {  	v19 =	vld [tilespmem:s13+$0x1A90]  }
0x384: {  	v20 =	vld [tilespmem:s13+$0x1AA0]  }
0x385: {  	v21 =	vld [tilespmem:s13+$0x1AB0]  }
0x386: {  	v22 =	vld [tilespmem:s13+$0x1AC0]  }
0x387: {  	v23 =	vld [tilespmem:s13+$0x1AD0]  }
0x388: {  	v24 =	vld [tilespmem:s13+$0x1AE0]  }
0x389: {  	v25 =	vld [tilespmem:s13+$0x1AF0]  }
0x38a: {  	v26 =	vld [tilespmem:s13+$0x1E80]  }
0x38b: {  	v27 =	vld [tilespmem:s13+$0x1E90]  }
0x38c: {  	v28 =	vld [tilespmem:s13+$0x1EA0]  }
0x38d: {  	v29 =	vld [tilespmem:s13+$0x1EB0]  }
0x38e: {  	v30 =	vld [tilespmem:s13+$0x1EC0];
	s16 =	spop (v2sf)  }
0x38f: {  	v31 =	vld [tilespmem:s13+$0x1ED0];
	s17 =	sshll.u32 s16, $0x9;
	s14 =	sshll.u32 s16, $0x7  }
0x390: {  	v32 =	vld [tilespmem:s13+$0x1EE0];
	s18 =	sand.u32 $0xFFFFF800, s17;
	s14 =	sand.u32 $0x180, s14  }
0x391: {  	v33 =	vld [tilespmem:s13+$0x1EF0];
	s16 =	sor.u32 s14, s18  }
0x392: {  	[tilespmem:s16+$0x8080] =	vst.add.f32.msk $0xffff, v2  }
0x393: {  	[tilespmem:s16+$0x8090] =	vst.add.f32.msk $0xffff, v3  }
0x394: {  	[tilespmem:s16+$0x80A0] =	vst.add.f32.msk $0xffff, v4  }
0x395: {  	[tilespmem:s16+$0x80B0] =	vst.add.f32.msk $0xffff, v5  }
0x396: {  	[tilespmem:s16+$0x80C0] =	vst.add.f32.msk $0xffff, v6  }
0x397: {  	[tilespmem:s16+$0x80D0] =	vst.add.f32.msk $0xffff, v7  }
0x398: {  	[tilespmem:s16+$0x80E0] =	vst.add.f32.msk $0xffff, v8  }
0x399: {  	[tilespmem:s16+$0x80F0] =	vst.add.f32.msk $0xffff, v9  }
0x39a: {  	[tilespmem:s16+$0x8280] =	vst.add.f32.msk $0xffff, v10  }
0x39b: {  	[tilespmem:s16+$0x8290] =	vst.add.f32.msk $0xffff, v11  }
0x39c: {  	[tilespmem:s16+$0x82A0] =	vst.add.f32.msk $0xffff, v12  }
0x39d: {  	[tilespmem:s16+$0x82B0] =	vst.add.f32.msk $0xffff, v13  }
0x39e: {  	[tilespmem:s16+$0x82C0] =	vst.add.f32.msk $0xffff, v14  }
0x39f: {  	[tilespmem:s16+$0x82D0] =	vst.add.f32.msk $0xffff, v15  }
0x3a0: {  	[tilespmem:s16+$0x82E0] =	vst.add.f32.msk $0xffff, v16  }
0x3a1: {  	[tilespmem:s16+$0x82F0] =	vst.add.f32.msk $0xffff, v17  }
0x3a2: {  	[tilespmem:s16+$0x8480] =	vst.add.f32.msk $0xffff, v18  }
0x3a3: {  	[tilespmem:s16+$0x8490] =	vst.add.f32.msk $0xffff, v19  }
0x3a4: {  	[tilespmem:s16+$0x84A0] =	vst.add.f32.msk $0xffff, v20  }
0x3a5: {  	[tilespmem:s16+$0x84B0] =	vst.add.f32.msk $0xffff, v21  }
0x3a6: {  	[tilespmem:s16+$0x84C0] =	vst.add.f32.msk $0xffff, v22  }
0x3a7: {  	[tilespmem:s16+$0x84D0] =	vst.add.f32.msk $0xffff, v23  }
0x3a8: {  	s14 =	sor.u32 s17, s14;
	[tilespmem:s16+$0x84E0] =	vst.add.f32.msk $0xffff, v24  }
0x3a9: {  	[tilespmem:s16+$0x84F0] =	vst.add.f32.msk $0xffff, v25;
	s15 =	sor.u32 $0x600, s14  }
0x3aa: {  	s19 =	sor.u32 $0x610, s14;
	[tilespmem:s15+$0x8080] =	vst.add.f32.msk $0xffff, v26  }
0x3ab: {  	s20 =	sor.u32 $0x620, s14;
	[tilespmem:s19+$0x8080] =	vst.add.f32.msk $0xffff, v27  }
0x3ac: {  	s21 =	sor.u32 $0x630, s14;
	[tilespmem:s20+$0x8080] =	vst.add.f32.msk $0xffff, v28  }
0x3ad: {  	s22 =	sor.u32 $0x640, s14;
	[tilespmem:s21+$0x8080] =	vst.add.f32.msk $0xffff, v29  }
0x3ae: {  	s23 =	sor.u32 $0x650, s14;
	[tilespmem:s22+$0x8080] =	vst.add.f32.msk $0xffff, v30  }
0x3af: {  	s24 =	sor.u32 $0x660, s14;
	[tilespmem:s23+$0x8080] =	vst.add.f32.msk $0xffff, v31  }
0x3b0: {  	s14 =	sor.u32 $0x670, s14;
	[tilespmem:s24+$0x8080] =	vst.add.f32.msk $0xffff, v32  }
0x3b1: {  	[tilespmem:s14+$0x8080] =	vst.add.f32.msk $0xffff, v33  }
0x3b2: {  	v2 =	vld [tilespmem:s13+$0x1300]  }
0x3b3: {  	v3 =	vld [tilespmem:s13+$0x1310]  }
0x3b4: {  	v4 =	vld [tilespmem:s13+$0x1320]  }
0x3b5: {  	v5 =	vld [tilespmem:s13+$0x1330]  }
0x3b6: {  	v6 =	vld [tilespmem:s13+$0x1340]  }
0x3b7: {  	v7 =	vld [tilespmem:s13+$0x1350]  }
0x3b8: {  	v8 =	vld [tilespmem:s13+$0x1360]  }
0x3b9: {  	v9 =	vld [tilespmem:s13+$0x1370]  }
0x3ba: {  	v10 =	vld [tilespmem:s13+$0x1700]  }
0x3bb: {  	v11 =	vld [tilespmem:s13+$0x1710]  }
0x3bc: {  	v12 =	vld [tilespmem:s13+$0x1720]  }
0x3bd: {  	v13 =	vld [tilespmem:s13+$0x1730]  }
0x3be: {  	v14 =	vld [tilespmem:s13+$0x1740]  }
0x3bf: {  	(v2sf) =	vpush v1, $0xE;
	v15 =	vld [tilespmem:s13+$0x1750]  }
0x3c0: {  	v16 =	vld [tilespmem:s13+$0x1760]  }
0x3c1: {  	v17 =	vld [tilespmem:s13+$0x1770]  }
0x3c2: {  	v18 =	vld [tilespmem:s13+$0x1B00]  }
0x3c3: {  	v19 =	vld [tilespmem:s13+$0x1B10]  }
0x3c4: {  	v20 =	vld [tilespmem:s13+$0x1B20]  }
0x3c5: {  	v21 =	vld [tilespmem:s13+$0x1B30]  }
0x3c6: {  	v22 =	vld [tilespmem:s13+$0x1B40]  }
0x3c7: {  	v23 =	vld [tilespmem:s13+$0x1B50]  }
0x3c8: {  	v24 =	vld [tilespmem:s13+$0x1B60]  }
0x3c9: {  	v25 =	vld [tilespmem:s13+$0x1B70]  }
0x3ca: {  	v26 =	vld [tilespmem:s13+$0x1F00]  }
0x3cb: {  	v27 =	vld [tilespmem:s13+$0x1F10]  }
0x3cc: {  	v28 =	vld [tilespmem:s13+$0x1F20]  }
0x3cd: {  	v29 =	vld [tilespmem:s13+$0x1F30]  }
0x3ce: {  	v30 =	vld [tilespmem:s13+$0x1F40];
	s25 =	spop (v2sf)  }
0x3cf: {  	v31 =	vld [tilespmem:s13+$0x1F50];
	s26 =	sshll.u32 s25, $0x9;
	s14 =	sshll.u32 s25, $0x7  }
0x3d0: {  	v32 =	vld [tilespmem:s13+$0x1F60];
	s28 =	sand.u32 $0xFFFFF800, s26;
	s14 =	sand.u32 $0x180, s14  }
0x3d1: {  	v33 =	vld [tilespmem:s13+$0x1F70];
	s16 =	sor.u32 s14, s28  }
0x3d2: {  	[tilespmem:s16+$0x8080] =	vst.add.f32.msk $0xffff, v2  }
0x3d3: {  	[tilespmem:s16+$0x8090] =	vst.add.f32.msk $0xffff, v3  }
0x3d4: {  	[tilespmem:s16+$0x80A0] =	vst.add.f32.msk $0xffff, v4  }
0x3d5: {  	[tilespmem:s16+$0x80B0] =	vst.add.f32.msk $0xffff, v5  }
0x3d6: {  	[tilespmem:s16+$0x80C0] =	vst.add.f32.msk $0xffff, v6  }
0x3d7: {  	[tilespmem:s16+$0x80D0] =	vst.add.f32.msk $0xffff, v7  }
0x3d8: {  	[tilespmem:s16+$0x80E0] =	vst.add.f32.msk $0xffff, v8  }
0x3d9: {  	[tilespmem:s16+$0x80F0] =	vst.add.f32.msk $0xffff, v9  }
0x3da: {  	[tilespmem:s16+$0x8280] =	vst.add.f32.msk $0xffff, v10  }
0x3db: {  	[tilespmem:s16+$0x8290] =	vst.add.f32.msk $0xffff, v11  }
0x3dc: {  	[tilespmem:s16+$0x82A0] =	vst.add.f32.msk $0xffff, v12  }
0x3dd: {  	[tilespmem:s16+$0x82B0] =	vst.add.f32.msk $0xffff, v13  }
0x3de: {  	[tilespmem:s16+$0x82C0] =	vst.add.f32.msk $0xffff, v14  }
0x3df: {  	[tilespmem:s16+$0x82D0] =	vst.add.f32.msk $0xffff, v15  }
0x3e0: {  	[tilespmem:s16+$0x82E0] =	vst.add.f32.msk $0xffff, v16  }
0x3e1: {  	[tilespmem:s16+$0x82F0] =	vst.add.f32.msk $0xffff, v17  }
0x3e2: {  	[tilespmem:s16+$0x8480] =	vst.add.f32.msk $0xffff, v18  }
0x3e3: {  	[tilespmem:s16+$0x8490] =	vst.add.f32.msk $0xffff, v19  }
0x3e4: {  	[tilespmem:s16+$0x84A0] =	vst.add.f32.msk $0xffff, v20  }
0x3e5: {  	[tilespmem:s16+$0x84B0] =	vst.add.f32.msk $0xffff, v21  }
0x3e6: {  	[tilespmem:s16+$0x84C0] =	vst.add.f32.msk $0xffff, v22  }
0x3e7: {  	[tilespmem:s16+$0x84D0] =	vst.add.f32.msk $0xffff, v23  }
0x3e8: {  	s14 =	sor.u32 s26, s14;
	[tilespmem:s16+$0x84E0] =	vst.add.f32.msk $0xffff, v24  }
0x3e9: {  	[tilespmem:s16+$0x84F0] =	vst.add.f32.msk $0xffff, v25;
	s15 =	sor.u32 $0x600, s14  }
0x3ea: {  	s29 =	sor.u32 $0x610, s14;
	[tilespmem:s15+$0x8080] =	vst.add.f32.msk $0xffff, v26  }
0x3eb: {  	s30 =	sor.u32 $0x620, s14;
	[tilespmem:s29+$0x8080] =	vst.add.f32.msk $0xffff, v27  }
0x3ec: {  	s31 =	sor.u32 $0x630, s14;
	[tilespmem:s30+$0x8080] =	vst.add.f32.msk $0xffff, v28  }
0x3ed: {  	s16 =	sor.u32 $0x640, s14;
	[tilespmem:s31+$0x8080] =	vst.add.f32.msk $0xffff, v29  }
0x3ee: {  	s17 =	sor.u32 $0x650, s14;
	[tilespmem:s16+$0x8080] =	vst.add.f32.msk $0xffff, v30  }
0x3ef: {  	s18 =	sor.u32 $0x660, s14;
	[tilespmem:s17+$0x8080] =	vst.add.f32.msk $0xffff, v31  }
0x3f0: {  	s14 =	sor.u32 $0x670, s14;
	[tilespmem:s18+$0x8080] =	vst.add.f32.msk $0xffff, v32  }
0x3f1: {  	[tilespmem:s14+$0x8080] =	vst.add.f32.msk $0xffff, v33  }
0x3f2: {  	v2 =	vld [tilespmem:s13+$0x1380]  }
0x3f3: {  	v3 =	vld [tilespmem:s13+$0x1390]  }
0x3f4: {  	v4 =	vld [tilespmem:s13+$0x13A0]  }
0x3f5: {  	v5 =	vld [tilespmem:s13+$0x13B0]  }
0x3f6: {  	v6 =	vld [tilespmem:s13+$0x13C0]  }
0x3f7: {  	v7 =	vld [tilespmem:s13+$0x13D0]  }
0x3f8: {  	v8 =	vld [tilespmem:s13+$0x13E0]  }
0x3f9: {  	v9 =	vld [tilespmem:s13+$0x13F0]  }
0x3fa: {  	v10 =	vld [tilespmem:s13+$0x1780]  }
0x3fb: {  	v11 =	vld [tilespmem:s13+$0x1790]  }
0x3fc: {  	v12 =	vld [tilespmem:s13+$0x17A0]  }
0x3fd: {  	v13 =	vld [tilespmem:s13+$0x17B0]  }
0x3fe: {  	v14 =	vld [tilespmem:s13+$0x17C0]  }
0x3ff: {  	(v2sf) =	vpush v1, $0xF;
	v1 =	vld [tilespmem:s13+$0x17D0]  }
0x400: {  	v15 =	vld [tilespmem:s13+$0x17E0]  }
0x401: {  	v16 =	vld [tilespmem:s13+$0x17F0]  }
0x402: {  	v17 =	vld [tilespmem:s13+$0x1B80]  }
0x403: {  	v18 =	vld [tilespmem:s13+$0x1B90]  }
0x404: {  	v19 =	vld [tilespmem:s13+$0x1BA0]  }
0x405: {  	v20 =	vld [tilespmem:s13+$0x1BB0]  }
0x406: {  	v21 =	vld [tilespmem:s13+$0x1BC0]  }
0x407: {  	v22 =	vld [tilespmem:s13+$0x1BD0]  }
0x408: {  	v23 =	vld [tilespmem:s13+$0x1BE0]  }
0x409: {  	v24 =	vld [tilespmem:s13+$0x1BF0]  }
0x40a: {  	v25 =	vld [tilespmem:s13+$0x1F80]  }
0x40b: {  	v26 =	vld [tilespmem:s13+$0x1F90]  }
0x40c: {  	v27 =	vld [tilespmem:s13+$0x1FA0]  }
0x40d: {  	v28 =	vld [tilespmem:s13+$0x1FB0]  }
0x40e: {  	v29 =	vld [tilespmem:s13+$0x1FC0];
	s19 =	spop (v2sf)  }
0x40f: {  	v30 =	vld [tilespmem:s13+$0x1FD0];
	s20 =	sshll.u32 s19, $0x9;
	s14 =	sshll.u32 s19, $0x7  }
0x410: {  	v31 =	vld [tilespmem:s13+$0x1FE0];
	s21 =	sand.u32 $0xFFFFF800, s20;
	s14 =	sand.u32 $0x180, s14  }
0x411: {  	v32 =	vld [tilespmem:s13+$0x1FF0];
	s22 =	sor.u32 s14, s21  }
0x412: {  	[tilespmem:s22+$0x8080] =	vst.add.f32.msk $0xffff, v2  }
0x413: {  	[tilespmem:s22+$0x8090] =	vst.add.f32.msk $0xffff, v3  }
0x414: {  	[tilespmem:s22+$0x80A0] =	vst.add.f32.msk $0xffff, v4  }
0x415: {  	[tilespmem:s22+$0x80B0] =	vst.add.f32.msk $0xffff, v5  }
0x416: {  	[tilespmem:s22+$0x80C0] =	vst.add.f32.msk $0xffff, v6  }
0x417: {  	[tilespmem:s22+$0x80D0] =	vst.add.f32.msk $0xffff, v7  }
0x418: {  	[tilespmem:s22+$0x80E0] =	vst.add.f32.msk $0xffff, v8  }
0x419: {  	[tilespmem:s22+$0x80F0] =	vst.add.f32.msk $0xffff, v9  }
0x41a: {  	[tilespmem:s22+$0x8280] =	vst.add.f32.msk $0xffff, v10  }
0x41b: {  	[tilespmem:s22+$0x8290] =	vst.add.f32.msk $0xffff, v11  }
0x41c: {  	[tilespmem:s22+$0x82A0] =	vst.add.f32.msk $0xffff, v12  }
0x41d: {  	[tilespmem:s22+$0x82B0] =	vst.add.f32.msk $0xffff, v13  }
0x41e: {  	[tilespmem:s22+$0x82C0] =	vst.add.f32.msk $0xffff, v14  }
0x41f: {  	[tilespmem:s22+$0x82D0] =	vst.add.f32.msk $0xffff, v1  }
0x420: {  	[tilespmem:s22+$0x82E0] =	vst.add.f32.msk $0xffff, v15  }
0x421: {  	[tilespmem:s22+$0x82F0] =	vst.add.f32.msk $0xffff, v16  }
0x422: {  	[tilespmem:s22+$0x8480] =	vst.add.f32.msk $0xffff, v17  }
0x423: {  	[tilespmem:s22+$0x8490] =	vst.add.f32.msk $0xffff, v18  }
0x424: {  	[tilespmem:s22+$0x84A0] =	vst.add.f32.msk $0xffff, v19  }
0x425: {  	[tilespmem:s22+$0x84B0] =	vst.add.f32.msk $0xffff, v20  }
0x426: {  	[tilespmem:s22+$0x84C0] =	vst.add.f32.msk $0xffff, v21  }
0x427: {  	[tilespmem:s22+$0x84D0] =	vst.add.f32.msk $0xffff, v22  }
0x428: {  	s14 =	sor.u32 s20, s14;
	[tilespmem:s22+$0x84E0] =	vst.add.f32.msk $0xffff, v23  }
0x429: {  	[tilespmem:s22+$0x84F0] =	vst.add.f32.msk $0xffff, v24;
	s23 =	sor.u32 $0x600, s14  }
0x42a: {  	s24 =	sor.u32 $0x610, s14;
	[tilespmem:s23+$0x8080] =	vst.add.f32.msk $0xffff, v25  }
0x42b: {  	s25 =	sor.u32 $0x620, s14;
	[tilespmem:s24+$0x8080] =	vst.add.f32.msk $0xffff, v26  }
0x42c: {  	p0 =	sne.s32 s12, $0x3;
	s26 =	sor.u32 $0x630, s14;
	[tilespmem:s25+$0x8080] =	vst.add.f32.msk $0xffff, v27  }
.Ltmp3:
0x42d: {  	s28 =	sor.u32 $0x640, s14;
	[tilespmem:s26+$0x8080] =	vst.add.f32.msk $0xffff, v28;
	(pc) =	sbr.rel @p0 .LBB2_8-.Ltmp3, $4  }
0x42e: {  	s29 =	sor.u32 $0x650, s14;
	[tilespmem:s28+$0x8080] =	vst.add.f32.msk $0xffff, v29  }
0x42f: {  	s30 =	sor.u32 $0x660, s14;
	[tilespmem:s29+$0x8080] =	vst.add.f32.msk $0xffff, v30  }
0x430: {  	s31 =	sor.u32 $0x670, s14;
	[tilespmem:s30+$0x8080] =	vst.add.f32.msk $0xffff, v31  }
0x431: {  	s12 =	sadd.s32 $0x1, s12;
	[tilespmem:s31+$0x8080] =	vst.add.f32.msk $0xffff, v32  }
0x432: {  	s11 =	sadd.s32 $0x1, s11  }
0x433: {  	p0 =	sne.s32 s11, s6  }
.Ltmp4:
0x434: {  	_ = 	snop;
	(pc) =	sbr.rel @p0 .LBB2_1-.Ltmp4, $4  }
0x435: {  	[hbm4b:s5+s2] =	stream.linear.scatter [tilespmem:s10], [sflag:$0x2], $0x800, $0x38;
	[tilespmem:$0x8880] =	vst v63  }
0x436: {  	_ =	swait.ge [sflag:s8], $0x800  }
0x437: {  	[sflag:s8] =	ssyncset.done $0x0  }
0x438: {  	[sflag:s8] =	ssyncadd.s32 $0xFFFFF800  }
0x439: {  	_ =	sfence.sel $0x180000  }
0x43a: {  	[bflag:$0x0] =	sbarrier.arrive $0xFFFF  }
0x43b: {  	p0 =	sne.s32 s1, $0x0;
	_ =	strace $0x90000047  }
0x43c: {  	s0 =	sadd.s32 @!p0 $0x100000, s0;
	[bflag:$0x2] =	sbarrier.arrive $0xFFFF  }
0x43d: {  	[sflag:s0] =	ssyncadd.tile.s32 @!p0 $0x1;
	_ =	shalt  }
.Lfunc_end2:
_tile_overlayer_lowered:
.L_overlay_start_2:
0x43e: {  	(tag) =	ssettag $0x2  }
0x43f: {  	s0 =	rddreg [dreg:$0x0];
	s2 =	stileid.u32  }
0x440: {  	s1 =	rddreg [dreg:$0x1];
	p0 =	sne.s32 s2, $0x0  }
0x441: {  	s3 =	rddreg [dreg:$0x2];
	[bflag:$0x3] =	sbarrier.arrive $0xFFFF;
	s2 =	simm.s32 @!p0 $0x1C02  }
0x442: {  	[timem:s3], [sflag:s2] =	dma.local @!p0 [hbm:s0], s1  }
0x443: {  	s0 =	simm.s32 @!p0 $0x2  }
0x444: {  	_ =	swait.ge @!p0 [sflag:s0], s1  }
0x445: {  	s1 =	ssub.s32 @!p0 $0x0, s1;
	[sflag:s0] =	ssyncset.done @!p0 $0x0  }
0x446: {  	[sflag:s0] =	ssyncadd.s32 @!p0 s1  }
0x447: {  	[bflag:$0x3] =	sbarrier.arrive $0xFFFF  }
0x448: {  	_ =	shalt  }

</sc_bundles>
